<compile_context>
chip_gen: v7x
topology: tpu7x:2x2x1
jax: 0.10.2.dev20260603
libtpu: 0.0.44.dev20260713+nightly
codegen_flags: <defaults>
</compile_context>

<pallas_src>
import functools

import numpy as np
import jax
import jax.numpy as jnp
from jax.experimental import pallas as pl
from jax.experimental.pallas import tpu as pltpu

_N = 4096
_D = 16
_K = 4
_CUTOFF = 0.5
_NZ_CUTOFF = 1.4

_B = 256
_CJ = 512
_BG = 1024

_K1 = np.uint32(0x375F238F)
_K2 = np.uint32(0xCDDB151D)
_TINY = np.float32(np.finfo(np.float32).tiny)
_SCALE = np.float32(np.float32(1.0) - _TINY)

_INTERPRET = False


def _anchor_positive_np():
    i = np.arange(_N, dtype=np.int32)
    a_idx = np.repeat(i, _K - 1)
    pat = np.array([[1, 2, 3], [0, 2, 3], [0, 1, 3], [0, 1, 2]], dtype=np.int32)
    p_idx = (4 * (i[:, None] // 4) + pat[i % 4]).reshape(-1)
    return a_idx, p_idx

_A_IDX_NP, _P_IDX_NP = _anchor_positive_np()


def _dist_lw(xb, xT):
    sim = jnp.dot(xb, xT, preferred_element_type=jnp.float32)
    dist = jnp.sqrt(jnp.maximum(2.0 - 2.0 * sim, 0.0))
    dist = jnp.maximum(dist, _CUTOFF)
    lw = (2.0 - float(_D)) * jnp.log(dist) \
        - (float(_D - 3) / 2.0) * jnp.log(1.0 - 0.25 * dist * dist)
    return dist, lw


def _maxlw_kernel(xb_ref, xT_ref, out_ref):
    _, lw = _dist_lw(xb_ref[...], xT_ref[...])
    out_ref[0, 0, :] = jnp.broadcast_to(jnp.max(lw), (128,))


def _rotl(x, r):
    return (x * np.uint32(1 << r)) | (x >> np.uint32(32 - r))


def _threefry_bits(lin):
    ks0, ks1 = _K1, _K2
    ks2 = np.uint32(ks0 ^ ks1 ^ np.uint32(0x1BD11BDA))
    x0 = jnp.full_like(lin, ks0)
    x1 = lin + ks1

    def rnd(x0, x1, r):
        x0 = x0 + x1
        x1 = _rotl(x1, r) ^ x0
        return x0, x1

    for r in (13, 15, 26, 6):
        x0, x1 = rnd(x0, x1, r)
    x0 = x0 + ks1
    x1 = x1 + np.uint32(ks2 + np.uint32(1))
    for r in (17, 29, 16, 24):
        x0, x1 = rnd(x0, x1, r)
    x0 = x0 + ks2
    x1 = x1 + np.uint32(ks0 + np.uint32(2))
    for r in (13, 15, 26, 6):
        x0, x1 = rnd(x0, x1, r)
    x0 = x0 + ks0
    x1 = x1 + np.uint32(ks1 + np.uint32(3))
    for r in (17, 29, 16, 24):
        x0, x1 = rnd(x0, x1, r)
    x0 = x0 + ks1
    x1 = x1 + np.uint32(ks2 + np.uint32(4))
    for r in (13, 15, 26, 6):
        x0, x1 = rnd(x0, x1, r)
    x0 = x0 + ks2
    x1 = x1 + np.uint32(ks0 + np.uint32(5))
    return x0 ^ x1


def _gumbel_from_bits(bits):
    fb = jax.lax.bitcast_convert_type(
        (bits >> np.uint32(9)) | np.uint32(0x3F800000), jnp.float32)
    floats = fb - np.float32(1.0)
    u = floats + _TINY
    return -jnp.log(-jnp.log(u))


def _sample_kernel(m_ref, xf_ref, xbT_ref, o0_ref, o1_ref, o2_ref, lg_ref):
    g = pl.program_id(0)
    r0 = g * _B
    sim = jnp.dot(xf_ref[...], xbT_ref[...], preferred_element_type=jnp.float32)
    dist = jnp.sqrt(jnp.maximum(2.0 - 2.0 * sim, 0.0))
    dist = jnp.maximum(dist, _CUTOFF)
    lw = (2.0 - float(_D)) * jnp.log(dist) \
        - (float(_D - 3) / 2.0) * jnp.log(1.0 - 0.25 * dist * dist)
    m = m_ref[0, 0]
    w = jnp.exp(lw - m)

    jj = jax.lax.broadcasted_iota(jnp.int32, (_N, _B), 0)
    ii = r0 + jax.lax.broadcasted_iota(jnp.int32, (_N, _B), 1)
    maskf = jnp.where((ii // _K) == (jj // _K),
                      np.float32(0.0), np.float32(1.0))
    w = w * maskf
    w = w * (dist < _NZ_CUTOFF).astype(jnp.float32)
    w = jnp.where(w != w, np.float32(0.0), w)
    lg_ref[...] = w

    def racc(t, acc):
        for u in range(8):
            acc = acc + lg_ref[pl.ds(t * 64 + u * 8, 8), :]
        return acc

    acc8 = lg_ref[pl.ds(0, 8), :]
    for u in range(1, 8):
        acc8 = acc8 + lg_ref[pl.ds(u * 8, 8), :]
    acc8 = jax.lax.fori_loop(1, _N // 64, racc, acc8)
    v1 = acc8[0:4, :] + acc8[4:8, :]
    v2 = v1[0:2, :] + v1[2:4, :]
    rs = v2[0:1, :] + v2[1:2, :]

    valid = (rs > 0.0) & (jnp.abs(rs) < jnp.inf)
    probs = lg_ref[...] / rs
    probs = jnp.where(valid, probs, np.float32(1.0 / _N))
    probs = jnp.where(probs != probs, np.float32(1.0 / _N), probs)
    lg_ref[...] = jnp.log(jnp.maximum(probs, np.float32(1e-30)))

    iic = (r0 + jax.lax.broadcasted_iota(jnp.int32, (_CJ, _B), 1)).astype(jnp.uint32)
    jjc = jax.lax.broadcasted_iota(jnp.int32, (_CJ, _B), 0).astype(jnp.uint32)
    basec = iic * np.uint32(_N) + jjc
    out_refs = (o0_ref, o1_ref, o2_ref)
    nchunks = _N // _CJ
    for s in range(3):
        def body(c, carry):
            rmax, ridx = carry
            c0 = c * _CJ
            lin = basec + (np.uint32(s * _N * _N) + c0.astype(jnp.uint32))
            gum = _gumbel_from_bits(_threefry_bits(lin))
            vals = gum + lg_ref[pl.ds(c0, _CJ), :]
            cmax = jnp.max(vals, axis=0, keepdims=True)
            jidx = c0 + jax.lax.broadcasted_iota(jnp.int32, (_CJ, _B), 0)
            cand = jnp.where(vals == cmax, jidx, _N)
            cidx = jnp.min(cand, axis=0, keepdims=True)
            upd = cmax > rmax
            return (jnp.where(upd, cmax, rmax), jnp.where(upd, cidx, ridx))

        rmax0 = jnp.full((1, _B), -jnp.inf, jnp.float32)
        ridx0 = jnp.zeros((1, _B), jnp.int32)
        _, ridx = jax.lax.fori_loop(0, nchunks, body, (rmax0, ridx0))
        out_refs[s][...] = ridx


_NWORK = 32


def _sc_gather(idx, table, ntot):
    from jax.experimental.pallas import tpu_sc as plsc
    mesh = plsc.VectorSubcoreMesh(core_axis_name="c", subcore_axis_name="s")
    bpw = ntot // _NWORK

    @functools.partial(
        pl.kernel, mesh=mesh,
        out_type=jax.ShapeDtypeStruct((ntot, _D), jnp.float32),
        scratch_types=[
            pltpu.VMEM((bpw,), jnp.int32),
            pltpu.VMEM((bpw, _D), jnp.float32),
            pltpu.SemaphoreType.DMA,
        ],
        compiler_params=pltpu.CompilerParams(use_tc_tiling_on_sc=False),
    )
    def gk(idx_hbm, table_hbm, out_hbm, idx_v, rows_v, sem):
        wid = jax.lax.axis_index("s") * 2 + jax.lax.axis_index("c")
        base = wid * bpw
        pltpu.sync_copy(idx_hbm.at[pl.ds(base, bpw)], idx_v)
        pltpu.async_copy(table_hbm.at[idx_v], rows_v, sem).wait()
        pltpu.sync_copy(rows_v, out_hbm.at[pl.ds(base, bpw)])

    return gk(idx, table)


def kernel(x):
    xT = x.T
    grid = _N // _B

    ap_idx = jnp.concatenate([jnp.asarray(_A_IDX_NP), jnp.asarray(_P_IDX_NP)])
    ap_rows = _sc_gather(ap_idx, x, 2 * _N * (_K - 1))

    maxes = pl.pallas_call(
        _maxlw_kernel,
        grid=(grid,),
        in_specs=[
            pl.BlockSpec((_B, _D), lambda g: (g, 0)),
            pl.BlockSpec((_D, _N), lambda g: (0, 0)),
        ],
        out_specs=pl.BlockSpec((1, 1, 128), lambda g: (g, 0, 0)),
        out_shape=jax.ShapeDtypeStruct((grid, 1, 128), jnp.float32),
        interpret=_INTERPRET,
    )(x, xT)
    m = jnp.max(maxes).reshape(1, 1)

    idx_out = jax.ShapeDtypeStruct((1, _N), jnp.int32)
    o0, o1, o2 = pl.pallas_call(
        _sample_kernel,
        grid=(grid,),
        in_specs=[
            pl.BlockSpec(memory_space=pltpu.SMEM),
            pl.BlockSpec((_N, _D), lambda g: (0, 0)),
            pl.BlockSpec((_D, _B), lambda g: (0, g)),
        ],
        out_specs=[pl.BlockSpec((1, _B), lambda g: (0, g))] * 3,
        out_shape=[idx_out] * 3,
        scratch_shapes=[pltpu.VMEM((_N, _B), jnp.float32)],
        interpret=_INTERPRET,
    )(m, x, xT)
    n_idx = jnp.concatenate([o0, o1, o2], axis=0).T.reshape(-1)

    n_x = _sc_gather(n_idx, x, _N * (_K - 1))

    nt = _N * (_K - 1)
    a_x = ap_rows[:nt]
    p_x = ap_rows[nt:]
    return (jnp.asarray(_A_IDX_NP), a_x, p_x, n_x, x)

# --- scband reference (transcript-rebuilt; emitter-appended) ---
"""Pipeline reference for scband-distance-weighted-sampling-58411555226013 (READ-ONLY COPY).

The authoritative reference and input builder live on the scoring server;
editing this copy changes nothing except your own understanding.
"""

import jax, jax.numpy as jnp
import numpy as np

N = 4096
D = 16
K = 4
CUTOFF = 0.5
NONZERO_LOSS_CUTOFF = 1.4


def setup_inputs(seed: int = 0) -> dict:
    key = jax.random.key(seed)
    x = jax.random.normal(key, (N, D), dtype=jnp.float32)
    # distance-weighted sampling assumes unit-norm embeddings (dist = sqrt(2-2*cos))
    x = x / jnp.linalg.norm(x, axis=1, keepdims=True)
    return {"x": x}


def _block_mask(n, k):
    mask = np.ones((n, n), dtype=np.float32)
    for i in range(0, n, k):
        mask[i:i + k, i:i + k] = 0.0
    return jnp.asarray(mask)


def _anchor_positive_indices(n, k):
    a_list, p_list = [], []
    for i in range(n):
        b = i // k
        for j in range(b * k, (b + 1) * k):
            if j != i:
                a_list.append(i)
                p_list.append(j)
    return (jnp.asarray(np.array(a_list, dtype=np.int64)),
            jnp.asarray(np.array(p_list, dtype=np.int64)))


def _compute_indices(x):
    n, d = x.shape
    k = K
    sim = jnp.matmul(x, x.T)
    dist = jnp.sqrt(jnp.maximum(2.0 - 2.0 * sim, 0.0))
    # standard distance-weighted sampling clamps distance from below at cutoff
    dist = jnp.maximum(dist, CUTOFF)
    log_weights = (2.0 - float(d)) * jnp.log(dist) - (float(d - 3) / 2.0) * jnp.log(1.0 - 0.25 * dist * dist)
    weights = jnp.exp(log_weights - jnp.max(log_weights))
    mask = _block_mask(n, k)
    weights = weights * mask * (dist < NONZERO_LOSS_CUTOFF).astype(weights.dtype)
    weights = jnp.where(jnp.isnan(weights), 0.0, weights)
    row_sum = jnp.sum(weights, axis=1, keepdims=True)
    probs = weights / row_sum
    # rows with invalid weights fall back to uniform sampling (mirrors the torch try/except)
    valid = (row_sum[:, 0] > 0) & jnp.isfinite(row_sum[:, 0])
    probs = jnp.where(valid[:, None], probs, jnp.full((n, n), 1.0 / n, dtype=weights.dtype))
    probs = jnp.where(jnp.isnan(probs), 1.0 / n, probs)
    logits = jnp.log(jnp.clip(probs, 1e-30, None))
    skey = jax.random.fold_in(jax.random.key(0), 1)
    # k-1 negatives per anchor, sampled with replacement per-row (np.random.choice equivalent)
    n_idx = jax.random.categorical(skey, logits, axis=-1, shape=(k - 1, n)).T.reshape(-1)
    a_idx, p_idx = _anchor_positive_indices(n, k)
    return a_idx, p_idx, n_idx


def reference(x):
    a_idx, p_idx, n_idx = _compute_indices(x)
    return (a_idx,
            jnp.take(x, a_idx, axis=0),
            jnp.take(x, p_idx, axis=0),
            jnp.take(x, n_idx, axis=0),
            x)

if __name__ == "__main__":
    import jax
    _d = setup_inputs()
    print(jax.jit(kernel)(*tuple(_d.values())))

</pallas_src>

<mosaic_0001>
#map = affine_map<(d0, d1) -> (0)>
#map1 = affine_map<(d0, d1) -> (0, 0)>
module attributes {stable_mosaic.version = 14 : i64} {
  func.func @gk(%arg0: i32, %arg1: i32, %arg2: memref<24576xi32, #tpu.memory_space<hbm>>, %arg3: memref<4096x16xf32, #tpu.memory_space<hbm>>, %arg4: memref<24576x16xf32, #tpu.memory_space<hbm>>, %arg5: memref<768xi32, #tpu.memory_space<vmem>>, %arg6: memref<768x16xf32, #tpu.memory_space<vmem>>, %arg7: memref<!tpu.dma_semaphore, #tpu.memory_space<semaphore_mem>>) attributes {dimension_semantics = [#tpu.dimension_semantics<core_parallel>, #tpu.dimension_semantics<subcore_parallel>], iteration_bounds = array<i64: 2, 16>, scalar_prefetch = 0 : i64, scratch_operands = 3 : i64, tpu.core_type = #tpu.core_type<sc_vector_subcore>, window_params = [{transform_indices = #map}, {transform_indices = #map1}, {transform_indices = #map1}]} {
    %mul3A = arith.constant 2 : i32
    %mul3A_0 = arith.muli %arg1, %mul3A : i32
    %add3A = arith.addi %mul3A_0, %arg0 : i32
    %mul3A_1 = arith.constant 768 : i32
    %mul3A_2 = arith.muli %add3A, %mul3A_1 : i32
    "tpu.region"() ({
      %run_scoped3A = tpu.sem_alloc : memref<!tpu.dma_semaphore, #tpu.memory_space<semaphore_mem>>
      %dma_start3A_7 = tpu.memref_slice %arg2[%mul3A_2] : memref<24576xi32, #tpu.memory_space<hbm>> -> memref<768xi32, #tpu.memory_space<hbm>>
      %dma_start3A_8 = tpu.memref_slice %arg2[%mul3A_2] : memref<24576xi32, #tpu.memory_space<hbm>> -> memref<768xi32, #tpu.memory_space<hbm>>
      tpu.enqueue_dma source(%dma_start3A_8 : memref<768xi32, #tpu.memory_space<hbm>>) target(%arg5 : memref<768xi32, #tpu.memory_space<vmem>>) target_semaphore(%run_scoped3A : memref<!tpu.dma_semaphore, #tpu.memory_space<semaphore_mem>>)
      %dma_wait3A_9 = tpu.memref_slice %arg2[%mul3A_2] : memref<24576xi32, #tpu.memory_space<hbm>> -> memref<768xi32, #tpu.memory_space<hbm>>
      %dma_wait3A_10 = tpu.memref_slice %arg2[%mul3A_2] : memref<24576xi32, #tpu.memory_space<hbm>> -> memref<768xi32, #tpu.memory_space<hbm>>
      tpu.wait_dma2 semaphore(%run_scoped3A : memref<!tpu.dma_semaphore, #tpu.memory_space<semaphore_mem>>) src(%dma_wait3A_10 : memref<768xi32, #tpu.memory_space<hbm>>) dst(%arg5 : memref<768xi32, #tpu.memory_space<vmem>>)
      tpu.yield
    }) : () -> ()
    %dma_start3A = arith.constant 0 : i32
    %dma_start3A_3 = arith.constant 0 : i32
    %dma_start3A_4 = tpu.memref_slice %arg3[%dma_start3A, %dma_start3A_3] : memref<4096x16xf32, #tpu.memory_space<hbm>> -> memref<4096x16xf32, #tpu.memory_space<hbm>>
    tpu.enqueue_indirect_dma source(%dma_start3A_4 : memref<4096x16xf32, #tpu.memory_space<hbm>>) target(%arg6 : memref<768x16xf32, #tpu.memory_space<vmem>>) offsets(%arg5 : memref<768xi32, #tpu.memory_space<vmem>>) semaphore(%arg7 : memref<!tpu.dma_semaphore, #tpu.memory_space<semaphore_mem>>)
    %dma_wait3A = arith.constant 0 : i32
    %dma_wait3A_5 = arith.constant 0 : i32
    %dma_wait3A_6 = tpu.memref_slice %arg3[%dma_wait3A, %dma_wait3A_5] : memref<4096x16xf32, #tpu.memory_space<hbm>> -> memref<4096x16xf32, #tpu.memory_space<hbm>>
    tpu.wait_indirect_dma semaphore(%arg7 : memref<!tpu.dma_semaphore, #tpu.memory_space<semaphore_mem>>) src(%dma_wait3A_6 : memref<4096x16xf32, #tpu.memory_space<hbm>>) dst(%arg6 : memref<768x16xf32, #tpu.memory_space<vmem>>)
    "tpu.region"() ({
      %run_scoped3A = tpu.sem_alloc : memref<!tpu.dma_semaphore, #tpu.memory_space<semaphore_mem>>
      %dma_start3A_7 = arith.constant 0 : i32
      %dma_start3A_8 = tpu.memref_slice %arg4[%mul3A_2, %dma_start3A_7] : memref<24576x16xf32, #tpu.memory_space<hbm>> -> memref<768x16xf32, #tpu.memory_space<hbm>>
      %dma_start3A_9 = arith.constant 0 : i32
      %dma_start3A_10 = tpu.memref_slice %arg4[%mul3A_2, %dma_start3A_9] : memref<24576x16xf32, #tpu.memory_space<hbm>> -> memref<768x16xf32, #tpu.memory_space<hbm>>
      tpu.enqueue_dma source(%arg6 : memref<768x16xf32, #tpu.memory_space<vmem>>) target(%dma_start3A_10 : memref<768x16xf32, #tpu.memory_space<hbm>>) target_semaphore(%run_scoped3A : memref<!tpu.dma_semaphore, #tpu.memory_space<semaphore_mem>>)
      %dma_wait3A_11 = arith.constant 0 : i32
      %dma_wait3A_12 = tpu.memref_slice %arg4[%mul3A_2, %dma_wait3A_11] : memref<24576x16xf32, #tpu.memory_space<hbm>> -> memref<768x16xf32, #tpu.memory_space<hbm>>
      %dma_wait3A_13 = arith.constant 0 : i32
      %dma_wait3A_14 = tpu.memref_slice %arg4[%mul3A_2, %dma_wait3A_13] : memref<24576x16xf32, #tpu.memory_space<hbm>> -> memref<768x16xf32, #tpu.memory_space<hbm>>
      tpu.wait_dma2 semaphore(%run_scoped3A : memref<!tpu.dma_semaphore, #tpu.memory_space<semaphore_mem>>) src(%arg6 : memref<768x16xf32, #tpu.memory_space<vmem>>) dst(%dma_wait3A_14 : memref<768x16xf32, #tpu.memory_space<hbm>>)
      tpu.yield
    }) : () -> ()
    return
  }
}

#map = affine_map<(d0, d1) -> (0)>
#map1 = affine_map<(d0, d1) -> (0, 0)>
module attributes {stable_mosaic.version = 14 : i64} {
  func.func @gk(%arg0: i32, %arg1: i32, %arg2: memref<12288xi32, #tpu.memory_space<hbm>>, %arg3: memref<4096x16xf32, #tpu.memory_space<hbm>>, %arg4: memref<12288x16xf32, #tpu.memory_space<hbm>>, %arg5: memref<384xi32, #tpu.memory_space<vmem>>, %arg6: memref<384x16xf32, #tpu.memory_space<vmem>>, %arg7: memref<!tpu.dma_semaphore, #tpu.memory_space<semaphore_mem>>) attributes {dimension_semantics = [#tpu.dimension_semantics<core_parallel>, #tpu.dimension_semantics<subcore_parallel>], iteration_bounds = array<i64: 2, 16>, scalar_prefetch = 0 : i64, scratch_operands = 3 : i64, tpu.core_type = #tpu.core_type<sc_vector_subcore>, window_params = [{transform_indices = #map}, {transform_indices = #map1}, {transform_indices = #map1}]} {
    %mul3A = arith.constant 2 : i32
    %mul3A_0 = arith.muli %arg1, %mul3A : i32
    %add3A = arith.addi %mul3A_0, %arg0 : i32
    %mul3A_1 = arith.constant 384 : i32
    %mul3A_2 = arith.muli %add3A, %mul3A_1 : i32
    "tpu.region"() ({
      %run_scoped3A = tpu.sem_alloc : memref<!tpu.dma_semaphore, #tpu.memory_space<semaphore_mem>>
      %dma_start3A_7 = tpu.memref_slice %arg2[%mul3A_2] : memref<12288xi32, #tpu.memory_space<hbm>> -> memref<384xi32, #tpu.memory_space<hbm>>
      %dma_start3A_8 = tpu.memref_slice %arg2[%mul3A_2] : memref<12288xi32, #tpu.memory_space<hbm>> -> memref<384xi32, #tpu.memory_space<hbm>>
      tpu.enqueue_dma source(%dma_start3A_8 : memref<384xi32, #tpu.memory_space<hbm>>) target(%arg5 : memref<384xi32, #tpu.memory_space<vmem>>) target_semaphore(%run_scoped3A : memref<!tpu.dma_semaphore, #tpu.memory_space<semaphore_mem>>)
      %dma_wait3A_9 = tpu.memref_slice %arg2[%mul3A_2] : memref<12288xi32, #tpu.memory_space<hbm>> -> memref<384xi32, #tpu.memory_space<hbm>>
      %dma_wait3A_10 = tpu.memref_slice %arg2[%mul3A_2] : memref<12288xi32, #tpu.memory_space<hbm>> -> memref<384xi32, #tpu.memory_space<hbm>>
      tpu.wait_dma2 semaphore(%run_scoped3A : memref<!tpu.dma_semaphore, #tpu.memory_space<semaphore_mem>>) src(%dma_wait3A_10 : memref<384xi32, #tpu.memory_space<hbm>>) dst(%arg5 : memref<384xi32, #tpu.memory_space<vmem>>)
      tpu.yield
    }) : () -> ()
    %dma_start3A = arith.constant 0 : i32
    %dma_start3A_3 = arith.constant 0 : i32
    %dma_start3A_4 = tpu.memref_slice %arg3[%dma_start3A, %dma_start3A_3] : memref<4096x16xf32, #tpu.memory_space<hbm>> -> memref<4096x16xf32, #tpu.memory_space<hbm>>
    tpu.enqueue_indirect_dma source(%dma_start3A_4 : memref<4096x16xf32, #tpu.memory_space<hbm>>) target(%arg6 : memref<384x16xf32, #tpu.memory_space<vmem>>) offsets(%arg5 : memref<384xi32, #tpu.memory_space<vmem>>) semaphore(%arg7 : memref<!tpu.dma_semaphore, #tpu.memory_space<semaphore_mem>>)
    %dma_wait3A = arith.constant 0 : i32
    %dma_wait3A_5 = arith.constant 0 : i32
    %dma_wait3A_6 = tpu.memref_slice %arg3[%dma_wait3A, %dma_wait3A_5] : memref<4096x16xf32, #tpu.memory_space<hbm>> -> memref<4096x16xf32, #tpu.memory_space<hbm>>
    tpu.wait_indirect_dma semaphore(%arg7 : memref<!tpu.dma_semaphore, #tpu.memory_space<semaphore_mem>>) src(%dma_wait3A_6 : memref<4096x16xf32, #tpu.memory_space<hbm>>) dst(%arg6 : memref<384x16xf32, #tpu.memory_space<vmem>>)
    "tpu.region"() ({
      %run_scoped3A = tpu.sem_alloc : memref<!tpu.dma_semaphore, #tpu.memory_space<semaphore_mem>>
      %dma_start3A_7 = arith.constant 0 : i32
      %dma_start3A_8 = tpu.memref_slice %arg4[%mul3A_2, %dma_start3A_7] : memref<12288x16xf32, #tpu.memory_space<hbm>> -> memref<384x16xf32, #tpu.memory_space<hbm>>
      %dma_start3A_9 = arith.constant 0 : i32
      %dma_start3A_10 = tpu.memref_slice %arg4[%mul3A_2, %dma_start3A_9] : memref<12288x16xf32, #tpu.memory_space<hbm>> -> memref<384x16xf32, #tpu.memory_space<hbm>>
      tpu.enqueue_dma source(%arg6 : memref<384x16xf32, #tpu.memory_space<vmem>>) target(%dma_start3A_10 : memref<384x16xf32, #tpu.memory_space<hbm>>) target_semaphore(%run_scoped3A : memref<!tpu.dma_semaphore, #tpu.memory_space<semaphore_mem>>)
      %dma_wait3A_11 = arith.constant 0 : i32
      %dma_wait3A_12 = tpu.memref_slice %arg4[%mul3A_2, %dma_wait3A_11] : memref<12288x16xf32, #tpu.memory_space<hbm>> -> memref<384x16xf32, #tpu.memory_space<hbm>>
      %dma_wait3A_13 = arith.constant 0 : i32
      %dma_wait3A_14 = tpu.memref_slice %arg4[%mul3A_2, %dma_wait3A_13] : memref<12288x16xf32, #tpu.memory_space<hbm>> -> memref<384x16xf32, #tpu.memory_space<hbm>>
      tpu.wait_dma2 semaphore(%run_scoped3A : memref<!tpu.dma_semaphore, #tpu.memory_space<semaphore_mem>>) src(%arg6 : memref<384x16xf32, #tpu.memory_space<vmem>>) dst(%dma_wait3A_14 : memref<384x16xf32, #tpu.memory_space<hbm>>)
      tpu.yield
    }) : () -> ()
    return
  }
}

module attributes {stable_mosaic.version = 14 : i64} {
  func.func @_maxlw_kernel(%arg0: i32, %arg1: memref<256x16xf32, #tpu.memory_space<vmem>>, %arg2: memref<16x4096xf32, #tpu.memory_space<vmem>>, %arg3: memref<1x1x128xf32, #tpu.memory_space<vmem>>) attributes {dimension_semantics = [#tpu.dimension_semantics<arbitrary>], iteration_bounds = array<i64: 16>, scalar_prefetch = 0 : i64, scratch_operands = 0 : i64, tpu.core_type = #tpu.core_type<tc>, window_params = [{transform_indices = @transform_0, window_bounds = array<i64: 256, 16>}, {pipeline_mode = #tpu.pipeline_mode<synchronous>, transform_indices = @transform_1, window_bounds = array<i64: 16, 4096>}, {transform_indices = @transform_2, window_bounds = array<i64: 1, 1, 128>}]} {
    %get3A = arith.constant 0 : index
    %get3A_0 = arith.constant 0 : index
    %get3A_1 = vector.load %arg1[%get3A, %get3A_0] : memref<256x16xf32, #tpu.memory_space<vmem>>, vector<256x16xf32>
    %get3A_2 = arith.constant 0 : index
    %get3A_3 = arith.constant 0 : index
    %get3A_4 = vector.load %arg2[%get3A_2, %get3A_3] : memref<16x4096xf32, #tpu.memory_space<vmem>>, vector<16x4096xf32>
    %dot_general3A = arith.constant dense<0.000000e+00> : vector<256x4096xf32>
    %dot_general3A_5 = tpu.matmul %get3A_1, %get3A_4, %dot_general3A {dimension_numbers = #tpu.dot_dimension_numbers<[1], [0], [0], [1], [0, 0, 1, 1], [], []>, transpose_lhs_hint = false} : vector<256x16xf32>, vector<16x4096xf32>, vector<256x4096xf32> -> vector<256x4096xf32>
    %mul3A = arith.constant 2.000000e+00 : f32
    %mul3A_6 = vector.broadcast %mul3A : f32 to vector<256x4096xf32>
    %mul3A_7 = arith.mulf %mul3A_6, %dot_general3A_5 : vector<256x4096xf32>
    %sub3A = arith.constant 2.000000e+00 : f32
    %sub3A_8 = vector.broadcast %sub3A : f32 to vector<256x4096xf32>
    %sub3A_9 = arith.subf %sub3A_8, %mul3A_7 : vector<256x4096xf32>
    %max3A = arith.constant 0.000000e+00 : f32
    %max3A_10 = vector.broadcast %max3A : f32 to vector<256x4096xf32>
    %max3A_11 = arith.maximumf %sub3A_9, %max3A_10 : vector<256x4096xf32>
    %sqrt3A = math.sqrt %max3A_11 : vector<256x4096xf32>
    %max3A_12 = arith.constant 5.000000e-01 : f32
    %max3A_13 = vector.broadcast %max3A_12 : f32 to vector<256x4096xf32>
    %max3A_14 = arith.maximumf %sqrt3A, %max3A_13 : vector<256x4096xf32>
    %log3A = math.log %max3A_14 : vector<256x4096xf32>
    %mul3A_15 = arith.constant -1.400000e+01 : f32
    %mul3A_16 = vector.broadcast %mul3A_15 : f32 to vector<256x4096xf32>
    %mul3A_17 = arith.mulf %mul3A_16, %log3A : vector<256x4096xf32>
    %mul3A_18 = arith.constant 2.500000e-01 : f32
    %mul3A_19 = vector.broadcast %mul3A_18 : f32 to vector<256x4096xf32>
    %mul3A_20 = arith.mulf %mul3A_19, %max3A_14 : vector<256x4096xf32>
    %mul3A_21 = arith.mulf %mul3A_20, %max3A_14 : vector<256x4096xf32>
    %sub3A_22 = arith.constant 1.000000e+00 : f32
    %sub3A_23 = vector.broadcast %sub3A_22 : f32 to vector<256x4096xf32>
    %sub3A_24 = arith.subf %sub3A_23, %mul3A_21 : vector<256x4096xf32>
    %log3A_25 = math.log %sub3A_24 : vector<256x4096xf32>
    %mul3A_26 = arith.constant 6.500000e+00 : f32
    %mul3A_27 = vector.broadcast %mul3A_26 : f32 to vector<256x4096xf32>
    %mul3A_28 = arith.mulf %mul3A_27, %log3A_25 : vector<256x4096xf32>
    %sub3A_29 = arith.subf %mul3A_17, %mul3A_28 : vector<256x4096xf32>
    %reduce_max3A = vector.shape_cast %sub3A_29 : vector<256x4096xf32> to vector<1x256x4096xf32>
    %reduce_max3A_30 = arith.constant dense<0xFF800000> : vector<1xf32>
    %reduce_max3A_31 = vector.multi_reduction <maximumf>, %reduce_max3A, %reduce_max3A_30 [1, 2] : vector<1x256x4096xf32> to vector<1xf32>
    %reduce_max3A_32 = vector.shape_cast %reduce_max3A_31 : vector<1xf32> to vector<1x1x1xf32>
    %reduce_max3A_33 = vector.extract %reduce_max3A_32[0, 0, 0] : f32 from vector<1x1x1xf32>
    %broadcast_in_dim3A = vector.broadcast %reduce_max3A_33 : f32 to vector<128xf32>
    %swap3A = arith.constant 0 : index
    %swap3A_34 = arith.constant 0 : index
    %swap3A_35 = arith.constant 0 : index
    %swap3A_36 = vector.load %arg3[%swap3A, %swap3A_34, %swap3A_35] : memref<1x1x128xf32, #tpu.memory_space<vmem>>, vector<1x1x128xf32>
    %swap3A_37 = vector.shape_cast %swap3A_36 : vector<1x1x128xf32> to vector<128xf32>
    %swap3A_38 = vector.shape_cast %broadcast_in_dim3A : vector<128xf32> to vector<1x1x128xf32>
    tpu.vector_store %arg3[%swap3A, %swap3A_34, %swap3A_35], %swap3A_38 {strides = array<i32>} : memref<1x1x128xf32, #tpu.memory_space<vmem>>, vector<1x1x128xf32>,
    return
  }
  func.func @transform_0(%arg0: i32) -> (i32, i32) {
    %c0_i32 = arith.constant 0 : i32
    %c0_i32_0 = arith.constant 0 : i32
    return %arg0, %c0_i32 : i32, i32
  }
  func.func @transform_1(%arg0: i32) -> (i32, i32) {
    %c0_i32 = arith.constant 0 : i32
    %c0_i32_0 = arith.constant 0 : i32
    %c0_i32_1 = arith.constant 0 : i32
    return %c0_i32, %c0_i32_0 : i32, i32
  }
  func.func @transform_2(%arg0: i32) -> (i32, i32, i32) {
    %c0_i32 = arith.constant 0 : i32
    %c0_i32_0 = arith.constant 0 : i32
    %c0_i32_1 = arith.constant 0 : i32
    return %arg0, %c0_i32, %c0_i32_0 : i32, i32, i32
  }
}

module attributes {stable_mosaic.version = 14 : i64} {
  func.func @_sample_kernel(%arg0: i32, %arg1: memref<1x1xf32, #tpu.memory_space<smem>>, %arg2: memref<4096x16xf32, #tpu.memory_space<vmem>>, %arg3: memref<16x256xf32, #tpu.memory_space<vmem>>, %arg4: memref<1x256xi32, #tpu.memory_space<vmem>>, %arg5: memref<1x256xi32, #tpu.memory_space<vmem>>, %arg6: memref<1x256xi32, #tpu.memory_space<vmem>>, %arg7: memref<4096x256xf32, #tpu.memory_space<vmem>>) attributes {dimension_semantics = [#tpu.dimension_semantics<arbitrary>], iteration_bounds = array<i64: 16>, scalar_prefetch = 0 : i64, scratch_operands = 1 : i64, tpu.core_type = #tpu.core_type<tc>, window_params = [{transform_indices = @transform_0, window_bounds = array<i64: 1, 1>}, {pipeline_mode = #tpu.pipeline_mode<synchronous>, transform_indices = @transform_1, window_bounds = array<i64: 4096, 16>}, {transform_indices = @transform_2, window_bounds = array<i64: 16, 256>}, {transform_indices = @transform_3, window_bounds = array<i64: 1, 256>}, {transform_indices = @transform_4, window_bounds = array<i64: 1, 256>}, {transform_indices = @transform_5, window_bounds = array<i64: 1, 256>}]} {
    %mul3A = arith.constant 256 : i32
    %mul3A_0 = arith.muli %arg0, %mul3A : i32
    %get3A = arith.constant 0 : index
    %get3A_1 = arith.constant 0 : index
    %get3A_2 = vector.load %arg2[%get3A, %get3A_1] : memref<4096x16xf32, #tpu.memory_space<vmem>>, vector<4096x16xf32>
    %get3A_3 = arith.constant 0 : index
    %get3A_4 = arith.constant 0 : index
    %get3A_5 = vector.load %arg3[%get3A_3, %get3A_4] : memref<16x256xf32, #tpu.memory_space<vmem>>, vector<16x256xf32>
    %dot_general3A = arith.constant dense<0.000000e+00> : vector<4096x256xf32>
    %dot_general3A_6 = tpu.matmul %get3A_2, %get3A_5, %dot_general3A {dimension_numbers = #tpu.dot_dimension_numbers<[1], [0], [0], [1], [0, 0, 1, 1], [], []>, transpose_lhs_hint = false} : vector<4096x16xf32>, vector<16x256xf32>, vector<4096x256xf32> -> vector<4096x256xf32>
    %mul3A_7 = arith.constant 2.000000e+00 : f32
    %mul3A_8 = vector.broadcast %mul3A_7 : f32 to vector<4096x256xf32>
    %mul3A_9 = arith.mulf %mul3A_8, %dot_general3A_6 : vector<4096x256xf32>
    %sub3A = arith.constant 2.000000e+00 : f32
    %sub3A_10 = vector.broadcast %sub3A : f32 to vector<4096x256xf32>
    %sub3A_11 = arith.subf %sub3A_10, %mul3A_9 : vector<4096x256xf32>
    %max3A = arith.constant 0.000000e+00 : f32
    %max3A_12 = vector.broadcast %max3A : f32 to vector<4096x256xf32>
    %max3A_13 = arith.maximumf %sub3A_11, %max3A_12 : vector<4096x256xf32>
    %sqrt3A = math.sqrt %max3A_13 : vector<4096x256xf32>
    %max3A_14 = arith.constant 5.000000e-01 : f32
    %max3A_15 = vector.broadcast %max3A_14 : f32 to vector<4096x256xf32>
    %max3A_16 = arith.maximumf %sqrt3A, %max3A_15 : vector<4096x256xf32>
    %log3A = math.log %max3A_16 : vector<4096x256xf32>
    %mul3A_17 = arith.constant -1.400000e+01 : f32
    %mul3A_18 = vector.broadcast %mul3A_17 : f32 to vector<4096x256xf32>
    %mul3A_19 = arith.mulf %mul3A_18, %log3A : vector<4096x256xf32>
    %mul3A_20 = arith.constant 2.500000e-01 : f32
    %mul3A_21 = vector.broadcast %mul3A_20 : f32 to vector<4096x256xf32>
    %mul3A_22 = arith.mulf %mul3A_21, %max3A_16 : vector<4096x256xf32>
    %mul3A_23 = arith.mulf %mul3A_22, %max3A_16 : vector<4096x256xf32>
    %sub3A_24 = arith.constant 1.000000e+00 : f32
    %sub3A_25 = vector.broadcast %sub3A_24 : f32 to vector<4096x256xf32>
    %sub3A_26 = arith.subf %sub3A_25, %mul3A_23 : vector<4096x256xf32>
    %log3A_27 = math.log %sub3A_26 : vector<4096x256xf32>
    %mul3A_28 = arith.constant 6.500000e+00 : f32
    %mul3A_29 = vector.broadcast %mul3A_28 : f32 to vector<4096x256xf32>
    %mul3A_30 = arith.mulf %mul3A_29, %log3A_27 : vector<4096x256xf32>
    %sub3A_31 = arith.subf %mul3A_19, %mul3A_30 : vector<4096x256xf32>
    %get3A_32 = arith.constant 0 : index
    %get3A_33 = arith.constant 0 : index
    %get3A_34 = memref.load %arg1[%get3A_32, %get3A_33] : memref<1x1xf32, #tpu.memory_space<smem>>
    %sub3A_35 = vector.broadcast %get3A_34 : f32 to vector<4096x256xf32>
    %sub3A_36 = arith.subf %sub3A_31, %sub3A_35 : vector<4096x256xf32>
    %exp3A = math.exp %sub3A_36 : vector<4096x256xf32>
    %iota3A = tpu.iota {dimensions = array<i32: 0>} : vector<4096x256xi32>
    %iota3A_37 = tpu.iota {dimensions = array<i32: 1>} : vector<4096x256xi32>
    %add3A = vector.broadcast %mul3A_0 : i32 to vector<4096x256xi32>
    %add3A_38 = arith.addi %add3A, %iota3A_37 : vector<4096x256xi32>
    %jit3A = arith.constant 4 : i32
    %div3A = vector.broadcast %jit3A : i32 to vector<4096x256xi32>
    %div3A_39 = arith.divsi %add3A_38, %div3A : vector<4096x256xi32>
    %sign3A = arith.constant 0 : i32
    %sign3A_40 = vector.broadcast %sign3A : i32 to vector<4096x256xi32>
    %sign3A_41 = arith.cmpi sgt, %add3A_38, %sign3A_40 : vector<4096x256xi32>
    %sign3A_42 = arith.extui %sign3A_41 : vector<4096x256xi1> to vector<4096x256xi32>
    %sign3A_43 = arith.constant 0 : i32
    %sign3A_44 = vector.broadcast %sign3A_43 : i32 to vector<4096x256xi32>
    %sign3A_45 = arith.cmpi slt, %add3A_38, %sign3A_44 : vector<4096x256xi32>
    %sign3A_46 = arith.extui %sign3A_45 : vector<4096x256xi1> to vector<4096x256xi32>
    %sign3A_47 = arith.subi %sign3A_42, %sign3A_46 : vector<4096x256xi32>
    %sign3A_48 = arith.constant 0 : i32
    %sign3A_49 = arith.cmpi sgt, %jit3A, %sign3A_48 : i32
    %sign3A_50 = arith.extui %sign3A_49 : i1 to i32
    %sign3A_51 = arith.constant 0 : i32
    %sign3A_52 = arith.cmpi slt, %jit3A, %sign3A_51 : i32
    %sign3A_53 = arith.extui %sign3A_52 : i1 to i32
    %sign3A_54 = arith.subi %sign3A_50, %sign3A_53 : i32
    %ne3A = vector.broadcast %sign3A_54 : i32 to vector<4096x256xi32>
    %ne3A_55 = arith.cmpi ne, %sign3A_47, %ne3A : vector<4096x256xi32>
    %rem3A = vector.broadcast %jit3A : i32 to vector<4096x256xi32>
    %rem3A_56 = arith.remsi %add3A_38, %rem3A : vector<4096x256xi32>
    %ne3A_57 = arith.constant 0 : i32
    %ne3A_58 = vector.broadcast %ne3A_57 : i32 to vector<4096x256xi32>
    %ne3A_59 = arith.cmpi ne, %rem3A_56, %ne3A_58 : vector<4096x256xi32>
    %and3A = arith.andi %ne3A_55, %ne3A_59 : vector<4096x256xi1>
    %sub3A_60 = arith.constant 1 : i32
    %sub3A_61 = vector.broadcast %sub3A_60 : i32 to vector<4096x256xi32>
    %sub3A_62 = arith.subi %div3A_39, %sub3A_61 : vector<4096x256xi32>
    %select_n3A = arith.select %and3A, %sub3A_62, %div3A_39 : vector<4096x256xi1>, vector<4096x256xi32>
    %jit3A_63 = arith.constant 4 : i32
    %div3A_64 = vector.broadcast %jit3A_63 : i32 to vector<4096x256xi32>
    %div3A_65 = arith.divsi %iota3A, %div3A_64 : vector<4096x256xi32>
    %sign3A_66 = arith.constant 0 : i32
    %sign3A_67 = vector.broadcast %sign3A_66 : i32 to vector<4096x256xi32>
    %sign3A_68 = arith.cmpi sgt, %iota3A, %sign3A_67 : vector<4096x256xi32>
    %sign3A_69 = arith.extui %sign3A_68 : vector<4096x256xi1> to vector<4096x256xi32>
    %sign3A_70 = arith.constant 0 : i32
    %sign3A_71 = vector.broadcast %sign3A_70 : i32 to vector<4096x256xi32>
    %sign3A_72 = arith.cmpi slt, %iota3A, %sign3A_71 : vector<4096x256xi32>
    %sign3A_73 = arith.extui %sign3A_72 : vector<4096x256xi1> to vector<4096x256xi32>
    %sign3A_74 = arith.subi %sign3A_69, %sign3A_73 : vector<4096x256xi32>
    %sign3A_75 = arith.constant 0 : i32
    %sign3A_76 = arith.cmpi sgt, %jit3A_63, %sign3A_75 : i32
    %sign3A_77 = arith.extui %sign3A_76 : i1 to i32
    %sign3A_78 = arith.constant 0 : i32
    %sign3A_79 = arith.cmpi slt, %jit3A_63, %sign3A_78 : i32
    %sign3A_80 = arith.extui %sign3A_79 : i1 to i32
    %sign3A_81 = arith.subi %sign3A_77, %sign3A_80 : i32
    %ne3A_82 = vector.broadcast %sign3A_81 : i32 to vector<4096x256xi32>
    %ne3A_83 = arith.cmpi ne, %sign3A_74, %ne3A_82 : vector<4096x256xi32>
    %rem3A_84 = vector.broadcast %jit3A_63 : i32 to vector<4096x256xi32>
    %rem3A_85 = arith.remsi %iota3A, %rem3A_84 : vector<4096x256xi32>
    %ne3A_86 = arith.constant 0 : i32
    %ne3A_87 = vector.broadcast %ne3A_86 : i32 to vector<4096x256xi32>
    %ne3A_88 = arith.cmpi ne, %rem3A_85, %ne3A_87 : vector<4096x256xi32>
    %and3A_89 = arith.andi %ne3A_83, %ne3A_88 : vector<4096x256xi1>
    %sub3A_90 = arith.constant 1 : i32
    %sub3A_91 = vector.broadcast %sub3A_90 : i32 to vector<4096x256xi32>
    %sub3A_92 = arith.subi %div3A_65, %sub3A_91 : vector<4096x256xi32>
    %select_n3A_93 = arith.select %and3A_89, %sub3A_92, %div3A_65 : vector<4096x256xi1>, vector<4096x256xi32>
    %eq3A = arith.cmpi eq, %select_n3A, %select_n3A_93 : vector<4096x256xi32>
    %jit3A_94 = arith.constant 0.000000e+00 : f32
    %jit3A_95 = arith.constant 1.000000e+00 : f32
    %broadcast_in_dim3A = vector.broadcast %jit3A_94 : f32 to vector<4096x256xf32>
    %broadcast_in_dim3A_96 = vector.broadcast %jit3A_95 : f32 to vector<4096x256xf32>
    %select_n3A_97 = arith.select %eq3A, %broadcast_in_dim3A, %broadcast_in_dim3A_96 : vector<4096x256xi1>, vector<4096x256xf32>
    %mul3A_98 = arith.mulf %exp3A, %select_n3A_97 : vector<4096x256xf32>
    %lt3A = arith.constant 1.400000e+00 : f32
    %lt3A_99 = vector.broadcast %lt3A : f32 to vector<4096x256xf32>
    %lt3A_100 = arith.cmpf olt, %max3A_16, %lt3A_99 : vector<4096x256xf32>
    %convert_element_type3A = arith.extui %lt3A_100 : vector<4096x256xi1> to vector<4096x256xi32>
    %convert_element_type3A_101 = arith.sitofp %convert_element_type3A : vector<4096x256xi32> to vector<4096x256xf32>
    %mul3A_102 = arith.mulf %mul3A_98, %convert_element_type3A_101 : vector<4096x256xf32>
    %ne3A_103 = arith.cmpf one, %mul3A_102, %mul3A_102 : vector<4096x256xf32>
    %jit3A_104 = arith.constant 0.000000e+00 : f32
    %broadcast_in_dim3A_105 = vector.broadcast %jit3A_104 : f32 to vector<4096x256xf32>
    %select_n3A_106 = arith.select %ne3A_103, %broadcast_in_dim3A_105, %mul3A_102 : vector<4096x256xi1>, vector<4096x256xf32>
    %swap3A = arith.constant 0 : index
    %swap3A_107 = arith.constant 0 : index
    %swap3A_108 = vector.load %arg7[%swap3A, %swap3A_107] : memref<4096x256xf32, #tpu.memory_space<vmem>>, vector<4096x256xf32>
    tpu.vector_store %arg7[%swap3A, %swap3A_107], %select_n3A_106 {strides = array<i32>} : memref<4096x256xf32, #tpu.memory_space<vmem>>, vector<4096x256xf32>,
    %get3A_109 = arith.constant 0 : index
    %get3A_110 = arith.constant 0 : index
    %get3A_111 = vector.load %arg7[%get3A_109, %get3A_110] : memref<4096x256xf32, #tpu.memory_space<vmem>>, vector<8x256xf32>
    %get3A_112 = arith.constant 8 : index
    %get3A_113 = arith.constant 0 : index
    %get3A_114 = vector.load %arg7[%get3A_112, %get3A_113] : memref<4096x256xf32, #tpu.memory_space<vmem>>, vector<8x256xf32>
    %add3A_115 = arith.addf %get3A_111, %get3A_114 : vector<8x256xf32>
    %get3A_116 = arith.constant 16 : index
    %get3A_117 = arith.constant 0 : index
    %get3A_118 = vector.load %arg7[%get3A_116, %get3A_117] : memref<4096x256xf32, #tpu.memory_space<vmem>>, vector<8x256xf32>
    %add3A_119 = arith.addf %add3A_115, %get3A_118 : vector<8x256xf32>
    %get3A_120 = arith.constant 24 : index
    %get3A_121 = arith.constant 0 : index
    %get3A_122 = vector.load %arg7[%get3A_120, %get3A_121] : memref<4096x256xf32, #tpu.memory_space<vmem>>, vector<8x256xf32>
    %add3A_123 = arith.addf %add3A_119, %get3A_122 : vector<8x256xf32>
    %get3A_124 = arith.constant 32 : index
    %get3A_125 = arith.constant 0 : index
    %get3A_126 = vector.load %arg7[%get3A_124, %get3A_125] : memref<4096x256xf32, #tpu.memory_space<vmem>>, vector<8x256xf32>
    %add3A_127 = arith.addf %add3A_123, %get3A_126 : vector<8x256xf32>
    %get3A_128 = arith.constant 40 : index
    %get3A_129 = arith.constant 0 : index
    %get3A_130 = vector.load %arg7[%get3A_128, %get3A_129] : memref<4096x256xf32, #tpu.memory_space<vmem>>, vector<8x256xf32>
    %add3A_131 = arith.addf %add3A_127, %get3A_130 : vector<8x256xf32>
    %get3A_132 = arith.constant 48 : index
    %get3A_133 = arith.constant 0 : index
    %get3A_134 = vector.load %arg7[%get3A_132, %get3A_133] : memref<4096x256xf32, #tpu.memory_space<vmem>>, vector<8x256xf32>
    %add3A_135 = arith.addf %add3A_131, %get3A_134 : vector<8x256xf32>
    %get3A_136 = arith.constant 56 : index
    %get3A_137 = arith.constant 0 : index
    %get3A_138 = vector.load %arg7[%get3A_136, %get3A_137] : memref<4096x256xf32, #tpu.memory_space<vmem>>, vector<8x256xf32>
    %add3A_139 = arith.addf %add3A_135, %get3A_138 : vector<8x256xf32>
    %scan3A = arith.constant 1 : i32
    %scan3A_140 = arith.constant 63 : i32
    %scan3A_141 = arith.addi %scan3A, %scan3A_140 : i32
    %scan3A_142 = arith.constant 1 : i32
    %scan3A_143 = scf.for %scan3A_227 = %scan3A to %scan3A_141 step %scan3A_142 iter_args(%scan3A_228 = %add3A_139) -> (vector<8x256xf32>)  : i32 {
      %mul3A_229 = arith.constant 64 : i32
      %mul3A_230 = arith.muli %scan3A_227, %mul3A_229 : i32
      %add3A_231 = arith.constant 0 : i32
      %add3A_232 = arith.addi %mul3A_230, %add3A_231 : i32
      %get3A_233 = arith.index_cast %add3A_232 : i32 to index
      %get3A_234 = arith.constant 0 : index
      %get3A_235 = vector.load %arg7[%get3A_233, %get3A_234] : memref<4096x256xf32, #tpu.memory_space<vmem>>, vector<8x256xf32>
      %add3A_236 = arith.addf %scan3A_228, %get3A_235 : vector<8x256xf32>
      %mul3A_237 = arith.constant 64 : i32
      %mul3A_238 = arith.muli %scan3A_227, %mul3A_237 : i32
      %add3A_239 = arith.constant 8 : i32
      %add3A_240 = arith.addi %mul3A_238, %add3A_239 : i32
      %get3A_241 = arith.index_cast %add3A_240 : i32 to index
      %get3A_242 = arith.constant 0 : index
      %get3A_243 = vector.load %arg7[%get3A_241, %get3A_242] : memref<4096x256xf32, #tpu.memory_space<vmem>>, vector<8x256xf32>
      %add3A_244 = arith.addf %add3A_236, %get3A_243 : vector<8x256xf32>
      %mul3A_245 = arith.constant 64 : i32
      %mul3A_246 = arith.muli %scan3A_227, %mul3A_245 : i32
      %add3A_247 = arith.constant 16 : i32
      %add3A_248 = arith.addi %mul3A_246, %add3A_247 : i32
      %get3A_249 = arith.index_cast %add3A_248 : i32 to index
      %get3A_250 = arith.constant 0 : index
      %get3A_251 = vector.load %arg7[%get3A_249, %get3A_250] : memref<4096x256xf32, #tpu.memory_space<vmem>>, vector<8x256xf32>
      %add3A_252 = arith.addf %add3A_244, %get3A_251 : vector<8x256xf32>
      %mul3A_253 = arith.constant 64 : i32
      %mul3A_254 = arith.muli %scan3A_227, %mul3A_253 : i32
      %add3A_255 = arith.constant 24 : i32
      %add3A_256 = arith.addi %mul3A_254, %add3A_255 : i32
      %get3A_257 = arith.index_cast %add3A_256 : i32 to index
      %get3A_258 = arith.constant 0 : index
      %get3A_259 = vector.load %arg7[%get3A_257, %get3A_258] : memref<4096x256xf32, #tpu.memory_space<vmem>>, vector<8x256xf32>
      %add3A_260 = arith.addf %add3A_252, %get3A_259 : vector<8x256xf32>
      %mul3A_261 = arith.constant 64 : i32
      %mul3A_262 = arith.muli %scan3A_227, %mul3A_261 : i32
      %add3A_263 = arith.constant 32 : i32
      %add3A_264 = arith.addi %mul3A_262, %add3A_263 : i32
      %get3A_265 = arith.index_cast %add3A_264 : i32 to index
      %get3A_266 = arith.constant 0 : index
      %get3A_267 = vector.load %arg7[%get3A_265, %get3A_266] : memref<4096x256xf32, #tpu.memory_space<vmem>>, vector<8x256xf32>
      %add3A_268 = arith.addf %add3A_260, %get3A_267 : vector<8x256xf32>
      %mul3A_269 = arith.constant 64 : i32
      %mul3A_270 = arith.muli %scan3A_227, %mul3A_269 : i32
      %add3A_271 = arith.constant 40 : i32
      %add3A_272 = arith.addi %mul3A_270, %add3A_271 : i32
      %get3A_273 = arith.index_cast %add3A_272 : i32 to index
      %get3A_274 = arith.constant 0 : index
      %get3A_275 = vector.load %arg7[%get3A_273, %get3A_274] : memref<4096x256xf32, #tpu.memory_space<vmem>>, vector<8x256xf32>
      %add3A_276 = arith.addf %add3A_268, %get3A_275 : vector<8x256xf32>
      %mul3A_277 = arith.constant 64 : i32
      %mul3A_278 = arith.muli %scan3A_227, %mul3A_277 : i32
      %add3A_279 = arith.constant 48 : i32
      %add3A_280 = arith.addi %mul3A_278, %add3A_279 : i32
      %get3A_281 = arith.index_cast %add3A_280 : i32 to index
      %get3A_282 = arith.constant 0 : index
      %get3A_283 = vector.load %arg7[%get3A_281, %get3A_282] : memref<4096x256xf32, #tpu.memory_space<vmem>>, vector<8x256xf32>
      %add3A_284 = arith.addf %add3A_276, %get3A_283 : vector<8x256xf32>
      %mul3A_285 = arith.constant 64 : i32
      %mul3A_286 = arith.muli %scan3A_227, %mul3A_285 : i32
      %add3A_287 = arith.constant 56 : i32
      %add3A_288 = arith.addi %mul3A_286, %add3A_287 : i32
      %get3A_289 = arith.index_cast %add3A_288 : i32 to index
      %get3A_290 = arith.constant 0 : index
      %get3A_291 = vector.load %arg7[%get3A_289, %get3A_290] : memref<4096x256xf32, #tpu.memory_space<vmem>>, vector<8x256xf32>
      %add3A_292 = arith.addf %add3A_284, %get3A_291 : vector<8x256xf32>
      scf.yield %add3A_292 : vector<8x256xf32>
    }
    %scan3A_144 = arith.constant 63 : i32
    %slice3A = vector.extract_strided_slice %scan3A_143 {offsets = [0, 0], sizes = [4, 256], strides = [1, 1]} : vector<8x256xf32> to vector<4x256xf32>
    %slice3A_145 = vector.extract_strided_slice %scan3A_143 {offsets = [4, 0], sizes = [4, 256], strides = [1, 1]} : vector<8x256xf32> to vector<4x256xf32>
    %add3A_146 = arith.addf %slice3A, %slice3A_145 : vector<4x256xf32>
    %slice3A_147 = vector.extract_strided_slice %add3A_146 {offsets = [0, 0], sizes = [2, 256], strides = [1, 1]} : vector<4x256xf32> to vector<2x256xf32>
    %slice3A_148 = vector.extract_strided_slice %add3A_146 {offsets = [2, 0], sizes = [2, 256], strides = [1, 1]} : vector<4x256xf32> to vector<2x256xf32>
    %add3A_149 = arith.addf %slice3A_147, %slice3A_148 : vector<2x256xf32>
    %slice3A_150 = vector.extract_strided_slice %add3A_149 {offsets = [0, 0], sizes = [1, 256], strides = [1, 1]} : vector<2x256xf32> to vector<1x256xf32>
    %slice3A_151 = vector.extract_strided_slice %add3A_149 {offsets = [1, 0], sizes = [1, 256], strides = [1, 1]} : vector<2x256xf32> to vector<1x256xf32>
    %add3A_152 = arith.addf %slice3A_150, %slice3A_151 : vector<1x256xf32>
    %gt3A = arith.constant 0.000000e+00 : f32
    %gt3A_153 = vector.broadcast %gt3A : f32 to vector<1x256xf32>
    %gt3A_154 = arith.cmpf ogt, %add3A_152, %gt3A_153 : vector<1x256xf32>
    %abs3A = math.absf %add3A_152 : vector<1x256xf32>
    %lt3A_155 = arith.constant 0x7F800000 : f32
    %lt3A_156 = vector.broadcast %lt3A_155 : f32 to vector<1x256xf32>
    %lt3A_157 = arith.cmpf olt, %abs3A, %lt3A_156 : vector<1x256xf32>
    %and3A_158 = arith.andi %gt3A_154, %lt3A_157 : vector<1x256xi1>
    %get3A_159 = arith.constant 0 : index
    %get3A_160 = arith.constant 0 : index
    %get3A_161 = vector.load %arg7[%get3A_159, %get3A_160] : memref<4096x256xf32, #tpu.memory_space<vmem>>, vector<4096x256xf32>
    %div3A_162 = vector.broadcast %add3A_152 : vector<1x256xf32> to vector<4096x256xf32>
    %div3A_163 = arith.divf %get3A_161, %div3A_162 : vector<4096x256xf32>
    %jit3A_164 = arith.constant 2.44140625E-4 : f32
    %broadcast_in_dim3A_165 = vector.shape_cast %and3A_158 : vector<1x256xi1> to vector<1x256xi1>
    %broadcast_in_dim3A_166 = vector.broadcast %broadcast_in_dim3A_165 : vector<1x256xi1> to vector<4096x256xi1>
    %broadcast_in_dim3A_167 = vector.broadcast %jit3A_164 : f32 to vector<4096x256xf32>
    %select_n3A_168 = arith.select %broadcast_in_dim3A_166, %div3A_163, %broadcast_in_dim3A_167 : vector<4096x256xi1>, vector<4096x256xf32>
    %ne3A_169 = arith.cmpf one, %select_n3A_168, %select_n3A_168 : vector<4096x256xf32>
    %jit3A_170 = arith.constant 2.44140625E-4 : f32
    %broadcast_in_dim3A_171 = vector.broadcast %jit3A_170 : f32 to vector<4096x256xf32>
    %select_n3A_172 = arith.select %ne3A_169, %broadcast_in_dim3A_171, %select_n3A_168 : vector<4096x256xi1>, vector<4096x256xf32>
    %max3A_173 = arith.constant 1.000000e-30 : f32
    %max3A_174 = vector.broadcast %max3A_173 : f32 to vector<4096x256xf32>
    %max3A_175 = arith.maximumf %select_n3A_172, %max3A_174 : vector<4096x256xf32>
    %log3A_176 = math.log %max3A_175 : vector<4096x256xf32>
    %swap3A_177 = arith.constant 0 : index
    %swap3A_178 = arith.constant 0 : index
    %swap3A_179 = vector.load %arg7[%swap3A_177, %swap3A_178] : memref<4096x256xf32, #tpu.memory_space<vmem>>, vector<4096x256xf32>
    tpu.vector_store %arg7[%swap3A_177, %swap3A_178], %log3A_176 {strides = array<i32>} : memref<4096x256xf32, #tpu.memory_space<vmem>>, vector<4096x256xf32>,
    %iota3A_180 = tpu.iota {dimensions = array<i32: 1>} : vector<512x256xi32>
    %add3A_181 = vector.broadcast %mul3A_0 : i32 to vector<512x256xi32>
    %add3A_182 = arith.addi %add3A_181, %iota3A_180 : vector<512x256xi32>
    %iota3A_183 = tpu.iota {dimensions = array<i32: 0>} : vector<512x256xi32>
    %mul3A_184 = arith.constant 4096 : i32
    %mul3A_185 = vector.broadcast %mul3A_184 : i32 to vector<512x256xi32>
    %mul3A_186 = arith.muli %add3A_182, %mul3A_185 : vector<512x256xi32>
    %add3A_187 = arith.addi %mul3A_186, %iota3A_183 : vector<512x256xi32>
    %broadcast_in_dim3A_188 = arith.constant 0xFF800000 : f32
    %broadcast_in_dim3A_189 = vector.broadcast %broadcast_in_dim3A_188 : f32 to vector<1x256xf32>
    %broadcast_in_dim3A_190 = arith.constant 0 : i32
    %broadcast_in_dim3A_191 = vector.broadcast %broadcast_in_dim3A_190 : i32 to vector<1x256xi32>
    %scan3A_192 = arith.constant 0 : i32
    %scan3A_193 = arith.constant 8 : i32
    %scan3A_194 = arith.addi %scan3A_192, %scan3A_193 : i32
    %scan3A_195 = arith.constant 1 : i32
    %scan3A_196:2 = scf.for %scan3A_227 = %scan3A_192 to %scan3A_194 step %scan3A_195 iter_args(%scan3A_228 = %broadcast_in_dim3A_189, %scan3A_229 = %broadcast_in_dim3A_191) -> (vector<1x256xf32>, vector<1x256xi32>)  : i32 {
      %mul3A_230 = arith.constant 512 : i32
      %mul3A_231 = arith.muli %scan3A_227, %mul3A_230 : i32
      %add3A_232 = arith.constant 0 : i32
      %add3A_233 = arith.addi %add3A_232, %mul3A_231 : i32
      %add3A_234 = vector.broadcast %add3A_233 : i32 to vector<512x256xi32>
      %add3A_235 = arith.addi %add3A_187, %add3A_234 : vector<512x256xi32>
      %broadcast_in_dim3A_236 = arith.constant 928981903 : i32
      %broadcast_in_dim3A_237 = vector.broadcast %broadcast_in_dim3A_236 : i32 to vector<512x256xi32>
      %add3A_238 = arith.constant -841280227 : i32
      %add3A_239 = vector.broadcast %add3A_238 : i32 to vector<512x256xi32>
      %add3A_240 = arith.addi %add3A_235, %add3A_239 : vector<512x256xi32>
      %add3A_241 = arith.addi %broadcast_in_dim3A_237, %add3A_240 : vector<512x256xi32>
      %mul3A_242 = arith.constant 8192 : i32
      %mul3A_243 = vector.broadcast %mul3A_242 : i32 to vector<512x256xi32>
      %mul3A_244 = arith.muli %add3A_240, %mul3A_243 : vector<512x256xi32>
      %shift_right_logical3A = arith.constant 19 : i32
      %shift_right_logical3A_245 = vector.broadcast %shift_right_logical3A : i32 to vector<512x256xi32>
      %shift_right_logical3A_246 = arith.shrui %add3A_240, %shift_right_logical3A_245 : vector<512x256xi32>
      %or3A = arith.ori %mul3A_244, %shift_right_logical3A_246 : vector<512x256xi32>
      %xor3A = arith.xori %or3A, %add3A_241 : vector<512x256xi32>
      %add3A_247 = arith.addi %add3A_241, %xor3A : vector<512x256xi32>
      %mul3A_248 = arith.constant 32768 : i32
      %mul3A_249 = vector.broadcast %mul3A_248 : i32 to vector<512x256xi32>
      %mul3A_250 = arith.muli %xor3A, %mul3A_249 : vector<512x256xi32>
      %shift_right_logical3A_251 = arith.constant 17 : i32
      %shift_right_logical3A_252 = vector.broadcast %shift_right_logical3A_251 : i32 to vector<512x256xi32>
      %shift_right_logical3A_253 = arith.shrui %xor3A, %shift_right_logical3A_252 : vector<512x256xi32>
      %or3A_254 = arith.ori %mul3A_250, %shift_right_logical3A_253 : vector<512x256xi32>
      %xor3A_255 = arith.xori %or3A_254, %add3A_247 : vector<512x256xi32>
      %add3A_256 = arith.addi %add3A_247, %xor3A_255 : vector<512x256xi32>
      %mul3A_257 = arith.constant 67108864 : i32
      %mul3A_258 = vector.broadcast %mul3A_257 : i32 to vector<512x256xi32>
      %mul3A_259 = arith.muli %xor3A_255, %mul3A_258 : vector<512x256xi32>
      %shift_right_logical3A_260 = arith.constant 6 : i32
      %shift_right_logical3A_261 = vector.broadcast %shift_right_logical3A_260 : i32 to vector<512x256xi32>
      %shift_right_logical3A_262 = arith.shrui %xor3A_255, %shift_right_logical3A_261 : vector<512x256xi32>
      %or3A_263 = arith.ori %mul3A_259, %shift_right_logical3A_262 : vector<512x256xi32>
      %xor3A_264 = arith.xori %or3A_263, %add3A_256 : vector<512x256xi32>
      %add3A_265 = arith.addi %add3A_256, %xor3A_264 : vector<512x256xi32>
      %mul3A_266 = arith.constant 64 : i32
      %mul3A_267 = vector.broadcast %mul3A_266 : i32 to vector<512x256xi32>
      %mul3A_268 = arith.muli %xor3A_264, %mul3A_267 : vector<512x256xi32>
      %shift_right_logical3A_269 = arith.constant 26 : i32
      %shift_right_logical3A_270 = vector.broadcast %shift_right_logical3A_269 : i32 to vector<512x256xi32>
      %shift_right_logical3A_271 = arith.shrui %xor3A_264, %shift_right_logical3A_270 : vector<512x256xi32>
      %or3A_272 = arith.ori %mul3A_268, %shift_right_logical3A_271 : vector<512x256xi32>
      %xor3A_273 = arith.xori %or3A_272, %add3A_265 : vector<512x256xi32>
      %add3A_274 = arith.constant -841280227 : i32
      %add3A_275 = vector.broadcast %add3A_274 : i32 to vector<512x256xi32>
      %add3A_276 = arith.addi %add3A_265, %add3A_275 : vector<512x256xi32>
      %add3A_277 = arith.constant -514511543 : i32
      %add3A_278 = vector.broadcast %add3A_277 : i32 to vector<512x256xi32>
      %add3A_279 = arith.addi %xor3A_273, %add3A_278 : vector<512x256xi32>
      %add3A_280 = arith.addi %add3A_276, %add3A_279 : vector<512x256xi32>
      %mul3A_281 = arith.constant 131072 : i32
      %mul3A_282 = vector.broadcast %mul3A_281 : i32 to vector<512x256xi32>
      %mul3A_283 = arith.muli %add3A_279, %mul3A_282 : vector<512x256xi32>
      %shift_right_logical3A_284 = arith.constant 15 : i32
      %shift_right_logical3A_285 = vector.broadcast %shift_right_logical3A_284 : i32 to vector<512x256xi32>
      %shift_right_logical3A_286 = arith.shrui %add3A_279, %shift_right_logical3A_285 : vector<512x256xi32>
      %or3A_287 = arith.ori %mul3A_283, %shift_right_logical3A_286 : vector<512x256xi32>
      %xor3A_288 = arith.xori %or3A_287, %add3A_280 : vector<512x256xi32>
      %add3A_289 = arith.addi %add3A_280, %xor3A_288 : vector<512x256xi32>
      %mul3A_290 = arith.constant 536870912 : i32
      %mul3A_291 = vector.broadcast %mul3A_290 : i32 to vector<512x256xi32>
      %mul3A_292 = arith.muli %xor3A_288, %mul3A_291 : vector<512x256xi32>
      %shift_right_logical3A_293 = arith.constant 3 : i32
      %shift_right_logical3A_294 = vector.broadcast %shift_right_logical3A_293 : i32 to vector<512x256xi32>
      %shift_right_logical3A_295 = arith.shrui %xor3A_288, %shift_right_logical3A_294 : vector<512x256xi32>
      %or3A_296 = arith.ori %mul3A_292, %shift_right_logical3A_295 : vector<512x256xi32>
      %xor3A_297 = arith.xori %or3A_296, %add3A_289 : vector<512x256xi32>
      %add3A_298 = arith.addi %add3A_289, %xor3A_297 : vector<512x256xi32>
      %mul3A_299 = arith.constant 65536 : i32
      %mul3A_300 = vector.broadcast %mul3A_299 : i32 to vector<512x256xi32>
      %mul3A_301 = arith.muli %xor3A_297, %mul3A_300 : vector<512x256xi32>
      %shift_right_logical3A_302 = arith.constant 16 : i32
      %shift_right_logical3A_303 = vector.broadcast %shift_right_logical3A_302 : i32 to vector<512x256xi32>
      %shift_right_logical3A_304 = arith.shrui %xor3A_297, %shift_right_logical3A_303 : vector<512x256xi32>
      %or3A_305 = arith.ori %mul3A_301, %shift_right_logical3A_304 : vector<512x256xi32>
      %xor3A_306 = arith.xori %or3A_305, %add3A_298 : vector<512x256xi32>
      %add3A_307 = arith.addi %add3A_298, %xor3A_306 : vector<512x256xi32>
      %mul3A_308 = arith.constant 16777216 : i32
      %mul3A_309 = vector.broadcast %mul3A_308 : i32 to vector<512x256xi32>
      %mul3A_310 = arith.muli %xor3A_306, %mul3A_309 : vector<512x256xi32>
      %shift_right_logical3A_311 = arith.constant 8 : i32
      %shift_right_logical3A_312 = vector.broadcast %shift_right_logical3A_311 : i32 to vector<512x256xi32>
      %shift_right_logical3A_313 = arith.shrui %xor3A_306, %shift_right_logical3A_312 : vector<512x256xi32>
      %or3A_314 = arith.ori %mul3A_310, %shift_right_logical3A_313 : vector<512x256xi32>
      %xor3A_315 = arith.xori %or3A_314, %add3A_307 : vector<512x256xi32>
      %add3A_316 = arith.constant -514511544 : i32
      %add3A_317 = vector.broadcast %add3A_316 : i32 to vector<512x256xi32>
      %add3A_318 = arith.addi %add3A_307, %add3A_317 : vector<512x256xi32>
      %add3A_319 = arith.constant 928981905 : i32
      %add3A_320 = vector.broadcast %add3A_319 : i32 to vector<512x256xi32>
      %add3A_321 = arith.addi %xor3A_315, %add3A_320 : vector<512x256xi32>
      %add3A_322 = arith.addi %add3A_318, %add3A_321 : vector<512x256xi32>
      %mul3A_323 = arith.constant 8192 : i32
      %mul3A_324 = vector.broadcast %mul3A_323 : i32 to vector<512x256xi32>
      %mul3A_325 = arith.muli %add3A_321, %mul3A_324 : vector<512x256xi32>
      %shift_right_logical3A_326 = arith.constant 19 : i32
      %shift_right_logical3A_327 = vector.broadcast %shift_right_logical3A_326 : i32 to vector<512x256xi32>
      %shift_right_logical3A_328 = arith.shrui %add3A_321, %shift_right_logical3A_327 : vector<512x256xi32>
      %or3A_329 = arith.ori %mul3A_325, %shift_right_logical3A_328 : vector<512x256xi32>
      %xor3A_330 = arith.xori %or3A_329, %add3A_322 : vector<512x256xi32>
      %add3A_331 = arith.addi %add3A_322, %xor3A_330 : vector<512x256xi32>
      %mul3A_332 = arith.constant 32768 : i32
      %mul3A_333 = vector.broadcast %mul3A_332 : i32 to vector<512x256xi32>
      %mul3A_334 = arith.muli %xor3A_330, %mul3A_333 : vector<512x256xi32>
      %shift_right_logical3A_335 = arith.constant 17 : i32
      %shift_right_logical3A_336 = vector.broadcast %shift_right_logical3A_335 : i32 to vector<512x256xi32>
      %shift_right_logical3A_337 = arith.shrui %xor3A_330, %shift_right_logical3A_336 : vector<512x256xi32>
      %or3A_338 = arith.ori %mul3A_334, %shift_right_logical3A_337 : vector<512x256xi32>
      %xor3A_339 = arith.xori %or3A_338, %add3A_331 : vector<512x256xi32>
      %add3A_340 = arith.addi %add3A_331, %xor3A_339 : vector<512x256xi32>
      %mul3A_341 = arith.constant 67108864 : i32
      %mul3A_342 = vector.broadcast %mul3A_341 : i32 to vector<512x256xi32>
      %mul3A_343 = arith.muli %xor3A_339, %mul3A_342 : vector<512x256xi32>
      %shift_right_logical3A_344 = arith.constant 6 : i32
      %shift_right_logical3A_345 = vector.broadcast %shift_right_logical3A_344 : i32 to vector<512x256xi32>
      %shift_right_logical3A_346 = arith.shrui %xor3A_339, %shift_right_logical3A_345 : vector<512x256xi32>
      %or3A_347 = arith.ori %mul3A_343, %shift_right_logical3A_346 : vector<512x256xi32>
      %xor3A_348 = arith.xori %or3A_347, %add3A_340 : vector<512x256xi32>
      %add3A_349 = arith.addi %add3A_340, %xor3A_348 : vector<512x256xi32>
      %mul3A_350 = arith.constant 64 : i32
      %mul3A_351 = vector.broadcast %mul3A_350 : i32 to vector<512x256xi32>
      %mul3A_352 = arith.muli %xor3A_348, %mul3A_351 : vector<512x256xi32>
      %shift_right_logical3A_353 = arith.constant 26 : i32
      %shift_right_logical3A_354 = vector.broadcast %shift_right_logical3A_353 : i32 to vector<512x256xi32>
      %shift_right_logical3A_355 = arith.shrui %xor3A_348, %shift_right_logical3A_354 : vector<512x256xi32>
      %or3A_356 = arith.ori %mul3A_352, %shift_right_logical3A_355 : vector<512x256xi32>
      %xor3A_357 = arith.xori %or3A_356, %add3A_349 : vector<512x256xi32>
      %add3A_358 = arith.constant 928981903 : i32
      %add3A_359 = vector.broadcast %add3A_358 : i32 to vector<512x256xi32>
      %add3A_360 = arith.addi %add3A_349, %add3A_359 : vector<512x256xi32>
      %add3A_361 = arith.constant -841280224 : i32
      %add3A_362 = vector.broadcast %add3A_361 : i32 to vector<512x256xi32>
      %add3A_363 = arith.addi %xor3A_357, %add3A_362 : vector<512x256xi32>
      %add3A_364 = arith.addi %add3A_360, %add3A_363 : vector<512x256xi32>
      %mul3A_365 = arith.constant 131072 : i32
      %mul3A_366 = vector.broadcast %mul3A_365 : i32 to vector<512x256xi32>
      %mul3A_367 = arith.muli %add3A_363, %mul3A_366 : vector<512x256xi32>
      %shift_right_logical3A_368 = arith.constant 15 : i32
      %shift_right_logical3A_369 = vector.broadcast %shift_right_logical3A_368 : i32 to vector<512x256xi32>
      %shift_right_logical3A_370 = arith.shrui %add3A_363, %shift_right_logical3A_369 : vector<512x256xi32>
      %or3A_371 = arith.ori %mul3A_367, %shift_right_logical3A_370 : vector<512x256xi32>
      %xor3A_372 = arith.xori %or3A_371, %add3A_364 : vector<512x256xi32>
      %add3A_373 = arith.addi %add3A_364, %xor3A_372 : vector<512x256xi32>
      %mul3A_374 = arith.constant 536870912 : i32
      %mul3A_375 = vector.broadcast %mul3A_374 : i32 to vector<512x256xi32>
      %mul3A_376 = arith.muli %xor3A_372, %mul3A_375 : vector<512x256xi32>
      %shift_right_logical3A_377 = arith.constant 3 : i32
      %shift_right_logical3A_378 = vector.broadcast %shift_right_logical3A_377 : i32 to vector<512x256xi32>
      %shift_right_logical3A_379 = arith.shrui %xor3A_372, %shift_right_logical3A_378 : vector<512x256xi32>
      %or3A_380 = arith.ori %mul3A_376, %shift_right_logical3A_379 : vector<512x256xi32>
      %xor3A_381 = arith.xori %or3A_380, %add3A_373 : vector<512x256xi32>
      %add3A_382 = arith.addi %add3A_373, %xor3A_381 : vector<512x256xi32>
      %mul3A_383 = arith.constant 65536 : i32
      %mul3A_384 = vector.broadcast %mul3A_383 : i32 to vector<512x256xi32>
      %mul3A_385 = arith.muli %xor3A_381, %mul3A_384 : vector<512x256xi32>
      %shift_right_logical3A_386 = arith.constant 16 : i32
      %shift_right_logical3A_387 = vector.broadcast %shift_right_logical3A_386 : i32 to vector<512x256xi32>
      %shift_right_logical3A_388 = arith.shrui %xor3A_381, %shift_right_logical3A_387 : vector<512x256xi32>
      %or3A_389 = arith.ori %mul3A_385, %shift_right_logical3A_388 : vector<512x256xi32>
      %xor3A_390 = arith.xori %or3A_389, %add3A_382 : vector<512x256xi32>
      %add3A_391 = arith.addi %add3A_382, %xor3A_390 : vector<512x256xi32>
      %mul3A_392 = arith.constant 16777216 : i32
      %mul3A_393 = vector.broadcast %mul3A_392 : i32 to vector<512x256xi32>
      %mul3A_394 = arith.muli %xor3A_390, %mul3A_393 : vector<512x256xi32>
      %shift_right_logical3A_395 = arith.constant 8 : i32
      %shift_right_logical3A_396 = vector.broadcast %shift_right_logical3A_395 : i32 to vector<512x256xi32>
      %shift_right_logical3A_397 = arith.shrui %xor3A_390, %shift_right_logical3A_396 : vector<512x256xi32>
      %or3A_398 = arith.ori %mul3A_394, %shift_right_logical3A_397 : vector<512x256xi32>
      %xor3A_399 = arith.xori %or3A_398, %add3A_391 : vector<512x256xi32>
      %add3A_400 = arith.constant -841280227 : i32
      %add3A_401 = vector.broadcast %add3A_400 : i32 to vector<512x256xi32>
      %add3A_402 = arith.addi %add3A_391, %add3A_401 : vector<512x256xi32>
      %add3A_403 = arith.constant -514511540 : i32
      %add3A_404 = vector.broadcast %add3A_403 : i32 to vector<512x256xi32>
      %add3A_405 = arith.addi %xor3A_399, %add3A_404 : vector<512x256xi32>
      %add3A_406 = arith.addi %add3A_402, %add3A_405 : vector<512x256xi32>
      %mul3A_407 = arith.constant 8192 : i32
      %mul3A_408 = vector.broadcast %mul3A_407 : i32 to vector<512x256xi32>
      %mul3A_409 = arith.muli %add3A_405, %mul3A_408 : vector<512x256xi32>
      %shift_right_logical3A_410 = arith.constant 19 : i32
      %shift_right_logical3A_411 = vector.broadcast %shift_right_logical3A_410 : i32 to vector<512x256xi32>
      %shift_right_logical3A_412 = arith.shrui %add3A_405, %shift_right_logical3A_411 : vector<512x256xi32>
      %or3A_413 = arith.ori %mul3A_409, %shift_right_logical3A_412 : vector<512x256xi32>
      %xor3A_414 = arith.xori %or3A_413, %add3A_406 : vector<512x256xi32>
      %add3A_415 = arith.addi %add3A_406, %xor3A_414 : vector<512x256xi32>
      %mul3A_416 = arith.constant 32768 : i32
      %mul3A_417 = vector.broadcast %mul3A_416 : i32 to vector<512x256xi32>
      %mul3A_418 = arith.muli %xor3A_414, %mul3A_417 : vector<512x256xi32>
      %shift_right_logical3A_419 = arith.constant 17 : i32
      %shift_right_logical3A_420 = vector.broadcast %shift_right_logical3A_419 : i32 to vector<512x256xi32>
      %shift_right_logical3A_421 = arith.shrui %xor3A_414, %shift_right_logical3A_420 : vector<512x256xi32>
      %or3A_422 = arith.ori %mul3A_418, %shift_right_logical3A_421 : vector<512x256xi32>
      %xor3A_423 = arith.xori %or3A_422, %add3A_415 : vector<512x256xi32>
      %add3A_424 = arith.addi %add3A_415, %xor3A_423 : vector<512x256xi32>
      %mul3A_425 = arith.constant 67108864 : i32
      %mul3A_426 = vector.broadcast %mul3A_425 : i32 to vector<512x256xi32>
      %mul3A_427 = arith.muli %xor3A_423, %mul3A_426 : vector<512x256xi32>
      %shift_right_logical3A_428 = arith.constant 6 : i32
      %shift_right_logical3A_429 = vector.broadcast %shift_right_logical3A_428 : i32 to vector<512x256xi32>
      %shift_right_logical3A_430 = arith.shrui %xor3A_423, %shift_right_logical3A_429 : vector<512x256xi32>
      %or3A_431 = arith.ori %mul3A_427, %shift_right_logical3A_430 : vector<512x256xi32>
      %xor3A_432 = arith.xori %or3A_431, %add3A_424 : vector<512x256xi32>
      %add3A_433 = arith.addi %add3A_424, %xor3A_432 : vector<512x256xi32>
      %mul3A_434 = arith.constant 64 : i32
      %mul3A_435 = vector.broadcast %mul3A_434 : i32 to vector<512x256xi32>
      %mul3A_436 = arith.muli %xor3A_432, %mul3A_435 : vector<512x256xi32>
      %shift_right_logical3A_437 = arith.constant 26 : i32
      %shift_right_logical3A_438 = vector.broadcast %shift_right_logical3A_437 : i32 to vector<512x256xi32>
      %shift_right_logical3A_439 = arith.shrui %xor3A_432, %shift_right_logical3A_438 : vector<512x256xi32>
      %or3A_440 = arith.ori %mul3A_436, %shift_right_logical3A_439 : vector<512x256xi32>
      %xor3A_441 = arith.xori %or3A_440, %add3A_433 : vector<512x256xi32>
      %add3A_442 = arith.constant -514511544 : i32
      %add3A_443 = vector.broadcast %add3A_442 : i32 to vector<512x256xi32>
      %add3A_444 = arith.addi %add3A_433, %add3A_443 : vector<512x256xi32>
      %add3A_445 = arith.constant 928981908 : i32
      %add3A_446 = vector.broadcast %add3A_445 : i32 to vector<512x256xi32>
      %add3A_447 = arith.addi %xor3A_441, %add3A_446 : vector<512x256xi32>
      %xor3A_448 = arith.xori %add3A_444, %add3A_447 : vector<512x256xi32>
      %shift_right_logical3A_449 = arith.constant 9 : i32
      %shift_right_logical3A_450 = vector.broadcast %shift_right_logical3A_449 : i32 to vector<512x256xi32>
      %shift_right_logical3A_451 = arith.shrui %xor3A_448, %shift_right_logical3A_450 : vector<512x256xi32>
      %or3A_452 = arith.constant 1065353216 : i32
      %or3A_453 = vector.broadcast %or3A_452 : i32 to vector<512x256xi32>
      %or3A_454 = arith.ori %shift_right_logical3A_451, %or3A_453 : vector<512x256xi32>
      %bitcast_convert_type3A = tpu.bitcast %or3A_454 : vector<512x256xi32> -> vector<512x256xf32>
      %sub3A_455 = arith.constant 1.000000e+00 : f32
      %sub3A_456 = vector.broadcast %sub3A_455 : f32 to vector<512x256xf32>
      %sub3A_457 = arith.subf %bitcast_convert_type3A, %sub3A_456 : vector<512x256xf32>
      %add3A_458 = arith.constant 1.17549435E-38 : f32
      %add3A_459 = vector.broadcast %add3A_458 : f32 to vector<512x256xf32>
      %add3A_460 = arith.addf %sub3A_457, %add3A_459 : vector<512x256xf32>
      %log3A_461 = math.log %add3A_460 : vector<512x256xf32>
      %neg3A = arith.constant 0.000000e+00 : f32
      %neg3A_462 = vector.broadcast %neg3A : f32 to vector<512x256xf32>
      %neg3A_463 = arith.subf %neg3A_462, %log3A_461 : vector<512x256xf32>
      %log3A_464 = math.log %neg3A_463 : vector<512x256xf32>
      %neg3A_465 = arith.constant 0.000000e+00 : f32
      %neg3A_466 = vector.broadcast %neg3A_465 : f32 to vector<512x256xf32>
      %neg3A_467 = arith.subf %neg3A_466, %log3A_464 : vector<512x256xf32>
      %get3A_468 = arith.index_cast %mul3A_231 : i32 to index
      %get3A_469 = arith.constant 0 : index
      %get3A_470 = vector.load %arg7[%get3A_468, %get3A_469] : memref<4096x256xf32, #tpu.memory_space<vmem>>, vector<512x256xf32>
      %add3A_471 = arith.addf %neg3A_467, %get3A_470 : vector<512x256xf32>
      %reduce_max3A = arith.constant dense<0xFF800000> : vector<256xf32>
      %reduce_max3A_472 = vector.multi_reduction <maximumf>, %add3A_471, %reduce_max3A [0] : vector<512x256xf32> to vector<256xf32>
      %broadcast_in_dim3A_473 = vector.shape_cast %reduce_max3A_472 : vector<256xf32> to vector<1x256xf32>
      %iota3A_474 = tpu.iota {dimensions = array<i32: 0>} : vector<512x256xi32>
      %add3A_475 = vector.broadcast %mul3A_231 : i32 to vector<512x256xi32>
      %add3A_476 = arith.addi %add3A_475, %iota3A_474 : vector<512x256xi32>
      %eq3A_477 = vector.broadcast %broadcast_in_dim3A_473 : vector<1x256xf32> to vector<512x256xf32>
      %eq3A_478 = arith.cmpf oeq, %add3A_471, %eq3A_477 : vector<512x256xf32>
      %jit3A_479 = arith.constant 4096 : i32
      %broadcast_in_dim3A_480 = vector.broadcast %jit3A_479 : i32 to vector<512x256xi32>
      %select_n3A_481 = arith.select %eq3A_478, %add3A_476, %broadcast_in_dim3A_480 : vector<512x256xi1>, vector<512x256xi32>
      %reduce_min3A = arith.constant dense<2147483647> : vector<256xi32>
      %reduce_min3A_482 = vector.multi_reduction <minsi>, %select_n3A_481, %reduce_min3A [0] : vector<512x256xi32> to vector<256xi32>
      %broadcast_in_dim3A_483 = vector.shape_cast %reduce_min3A_482 : vector<256xi32> to vector<1x256xi32>
      %gt3A_484 = arith.cmpf ogt, %broadcast_in_dim3A_473, %scan3A_228 : vector<1x256xf32>
      %select_n3A_485 = arith.select %gt3A_484, %broadcast_in_dim3A_473, %scan3A_228 : vector<1x256xi1>, vector<1x256xf32>
      %select_n3A_486 = arith.select %gt3A_484, %broadcast_in_dim3A_483, %scan3A_229 : vector<1x256xi1>, vector<1x256xi32>
      scf.yield %select_n3A_485, %select_n3A_486 : vector<1x256xf32>, vector<1x256xi32>
    }
    %scan3A_197 = arith.constant 8 : i32
    %swap3A_198 = arith.constant 0 : index
    %swap3A_199 = arith.constant 0 : index
    %swap3A_200 = vector.load %arg4[%swap3A_198, %swap3A_199] : memref<1x256xi32, #tpu.memory_space<vmem>>, vector<1x256xi32>
    tpu.vector_store %arg4[%swap3A_198, %swap3A_199], %scan3A_196#1 {strides = array<i32>} : memref<1x256xi32, #tpu.memory_space<vmem>>, vector<1x256xi32>,
    %broadcast_in_dim3A_201 = arith.constant 0xFF800000 : f32
    %broadcast_in_dim3A_202 = vector.broadcast %broadcast_in_dim3A_201 : f32 to vector<1x256xf32>
    %broadcast_in_dim3A_203 = arith.constant 0 : i32
    %broadcast_in_dim3A_204 = vector.broadcast %broadcast_in_dim3A_203 : i32 to vector<1x256xi32>
    %scan3A_205 = arith.constant 0 : i32
    %scan3A_206 = arith.constant 8 : i32
    %scan3A_207 = arith.addi %scan3A_205, %scan3A_206 : i32
    %scan3A_208 = arith.constant 1 : i32
    %scan3A_209:2 = scf.for %scan3A_227 = %scan3A_205 to %scan3A_207 step %scan3A_208 iter_args(%scan3A_228 = %broadcast_in_dim3A_202, %scan3A_229 = %broadcast_in_dim3A_204) -> (vector<1x256xf32>, vector<1x256xi32>)  : i32 {
      %mul3A_230 = arith.constant 512 : i32
      %mul3A_231 = arith.muli %scan3A_227, %mul3A_230 : i32
      %add3A_232 = arith.constant 16777216 : i32
      %add3A_233 = arith.addi %add3A_232, %mul3A_231 : i32
      %add3A_234 = vector.broadcast %add3A_233 : i32 to vector<512x256xi32>
      %add3A_235 = arith.addi %add3A_187, %add3A_234 : vector<512x256xi32>
      %broadcast_in_dim3A_236 = arith.constant 928981903 : i32
      %broadcast_in_dim3A_237 = vector.broadcast %broadcast_in_dim3A_236 : i32 to vector<512x256xi32>
      %add3A_238 = arith.constant -841280227 : i32
      %add3A_239 = vector.broadcast %add3A_238 : i32 to vector<512x256xi32>
      %add3A_240 = arith.addi %add3A_235, %add3A_239 : vector<512x256xi32>
      %add3A_241 = arith.addi %broadcast_in_dim3A_237, %add3A_240 : vector<512x256xi32>
      %mul3A_242 = arith.constant 8192 : i32
      %mul3A_243 = vector.broadcast %mul3A_242 : i32 to vector<512x256xi32>
      %mul3A_244 = arith.muli %add3A_240, %mul3A_243 : vector<512x256xi32>
      %shift_right_logical3A = arith.constant 19 : i32
      %shift_right_logical3A_245 = vector.broadcast %shift_right_logical3A : i32 to vector<512x256xi32>
      %shift_right_logical3A_246 = arith.shrui %add3A_240, %shift_right_logical3A_245 : vector<512x256xi32>
      %or3A = arith.ori %mul3A_244, %shift_right_logical3A_246 : vector<512x256xi32>
      %xor3A = arith.xori %or3A, %add3A_241 : vector<512x256xi32>
      %add3A_247 = arith.addi %add3A_241, %xor3A : vector<512x256xi32>
      %mul3A_248 = arith.constant 32768 : i32
      %mul3A_249 = vector.broadcast %mul3A_248 : i32 to vector<512x256xi32>
      %mul3A_250 = arith.muli %xor3A, %mul3A_249 : vector<512x256xi32>
      %shift_right_logical3A_251 = arith.constant 17 : i32
      %shift_right_logical3A_252 = vector.broadcast %shift_right_logical3A_251 : i32 to vector<512x256xi32>
      %shift_right_logical3A_253 = arith.shrui %xor3A, %shift_right_logical3A_252 : vector<512x256xi32>
      %or3A_254 = arith.ori %mul3A_250, %shift_right_logical3A_253 : vector<512x256xi32>
      %xor3A_255 = arith.xori %or3A_254, %add3A_247 : vector<512x256xi32>
      %add3A_256 = arith.addi %add3A_247, %xor3A_255 : vector<512x256xi32>
      %mul3A_257 = arith.constant 67108864 : i32
      %mul3A_258 = vector.broadcast %mul3A_257 : i32 to vector<512x256xi32>
      %mul3A_259 = arith.muli %xor3A_255, %mul3A_258 : vector<512x256xi32>
      %shift_right_logical3A_260 = arith.constant 6 : i32
      %shift_right_logical3A_261 = vector.broadcast %shift_right_logical3A_260 : i32 to vector<512x256xi32>
      %shift_right_logical3A_262 = arith.shrui %xor3A_255, %shift_right_logical3A_261 : vector<512x256xi32>
      %or3A_263 = arith.ori %mul3A_259, %shift_right_logical3A_262 : vector<512x256xi32>
      %xor3A_264 = arith.xori %or3A_263, %add3A_256 : vector<512x256xi32>
      %add3A_265 = arith.addi %add3A_256, %xor3A_264 : vector<512x256xi32>
      %mul3A_266 = arith.constant 64 : i32
      %mul3A_267 = vector.broadcast %mul3A_266 : i32 to vector<512x256xi32>
      %mul3A_268 = arith.muli %xor3A_264, %mul3A_267 : vector<512x256xi32>
      %shift_right_logical3A_269 = arith.constant 26 : i32
      %shift_right_logical3A_270 = vector.broadcast %shift_right_logical3A_269 : i32 to vector<512x256xi32>
      %shift_right_logical3A_271 = arith.shrui %xor3A_264, %shift_right_logical3A_270 : vector<512x256xi32>
      %or3A_272 = arith.ori %mul3A_268, %shift_right_logical3A_271 : vector<512x256xi32>
      %xor3A_273 = arith.xori %or3A_272, %add3A_265 : vector<512x256xi32>
      %add3A_274 = arith.constant -841280227 : i32
      %add3A_275 = vector.broadcast %add3A_274 : i32 to vector<512x256xi32>
      %add3A_276 = arith.addi %add3A_265, %add3A_275 : vector<512x256xi32>
      %add3A_277 = arith.constant -514511543 : i32
      %add3A_278 = vector.broadcast %add3A_277 : i32 to vector<512x256xi32>
      %add3A_279 = arith.addi %xor3A_273, %add3A_278 : vector<512x256xi32>
      %add3A_280 = arith.addi %add3A_276, %add3A_279 : vector<512x256xi32>
      %mul3A_281 = arith.constant 131072 : i32
      %mul3A_282 = vector.broadcast %mul3A_281 : i32 to vector<512x256xi32>
      %mul3A_283 = arith.muli %add3A_279, %mul3A_282 : vector<512x256xi32>
      %shift_right_logical3A_284 = arith.constant 15 : i32
      %shift_right_logical3A_285 = vector.broadcast %shift_right_logical3A_284 : i32 to vector<512x256xi32>
      %shift_right_logical3A_286 = arith.shrui %add3A_279, %shift_right_logical3A_285 : vector<512x256xi32>
      %or3A_287 = arith.ori %mul3A_283, %shift_right_logical3A_286 : vector<512x256xi32>
      %xor3A_288 = arith.xori %or3A_287, %add3A_280 : vector<512x256xi32>
      %add3A_289 = arith.addi %add3A_280, %xor3A_288 : vector<512x256xi32>
      %mul3A_290 = arith.constant 536870912 : i32
      %mul3A_291 = vector.broadcast %mul3A_290 : i32 to vector<512x256xi32>
      %mul3A_292 = arith.muli %xor3A_288, %mul3A_291 : vector<512x256xi32>
      %shift_right_logical3A_293 = arith.constant 3 : i32
      %shift_right_logical3A_294 = vector.broadcast %shift_right_logical3A_293 : i32 to vector<512x256xi32>
      %shift_right_logical3A_295 = arith.shrui %xor3A_288, %shift_right_logical3A_294 : vector<512x256xi32>
      %or3A_296 = arith.ori %mul3A_292, %shift_right_logical3A_295 : vector<512x256xi32>
      %xor3A_297 = arith.xori %or3A_296, %add3A_289 : vector<512x256xi32>
      %add3A_298 = arith.addi %add3A_289, %xor3A_297 : vector<512x256xi32>
      %mul3A_299 = arith.constant 65536 : i32
      %mul3A_300 = vector.broadcast %mul3A_299 : i32 to vector<512x256xi32>
      %mul3A_301 = arith.muli %xor3A_297, %mul3A_300 : vector<512x256xi32>
      %shift_right_logical3A_302 = arith.constant 16 : i32
      %shift_right_logical3A_303 = vector.broadcast %shift_right_logical3A_302 : i32 to vector<512x256xi32>
      %shift_right_logical3A_304 = arith.shrui %xor3A_297, %shift_right_logical3A_303 : vector<512x256xi32>
      %or3A_305 = arith.ori %mul3A_301, %shift_right_logical3A_304 : vector<512x256xi32>
      %xor3A_306 = arith.xori %or3A_305, %add3A_298 : vector<512x256xi32>
      %add3A_307 = arith.addi %add3A_298, %xor3A_306 : vector<512x256xi32>
      %mul3A_308 = arith.constant 16777216 : i32
      %mul3A_309 = vector.broadcast %mul3A_308 : i32 to vector<512x256xi32>
      %mul3A_310 = arith.muli %xor3A_306, %mul3A_309 : vector<512x256xi32>
      %shift_right_logical3A_311 = arith.constant 8 : i32
      %shift_right_logical3A_312 = vector.broadcast %shift_right_logical3A_311 : i32 to vector<512x256xi32>
      %shift_right_logical3A_313 = arith.shrui %xor3A_306, %shift_right_logical3A_312 : vector<512x256xi32>
      %or3A_314 = arith.ori %mul3A_310, %shift_right_logical3A_313 : vector<512x256xi32>
      %xor3A_315 = arith.xori %or3A_314, %add3A_307 : vector<512x256xi32>
      %add3A_316 = arith.constant -514511544 : i32
      %add3A_317 = vector.broadcast %add3A_316 : i32 to vector<512x256xi32>
      %add3A_318 = arith.addi %add3A_307, %add3A_317 : vector<512x256xi32>
      %add3A_319 = arith.constant 928981905 : i32
      %add3A_320 = vector.broadcast %add3A_319 : i32 to vector<512x256xi32>
      %add3A_321 = arith.addi %xor3A_315, %add3A_320 : vector<512x256xi32>
      %add3A_322 = arith.addi %add3A_318, %add3A_321 : vector<512x256xi32>
      %mul3A_323 = arith.constant 8192 : i32
      %mul3A_324 = vector.broadcast %mul3A_323 : i32 to vector<512x256xi32>
      %mul3A_325 = arith.muli %add3A_321, %mul3A_324 : vector<512x256xi32>
      %shift_right_logical3A_326 = arith.constant 19 : i32
      %shift_right_logical3A_327 = vector.broadcast %shift_right_logical3A_326 : i32 to vector<512x256xi32>
      %shift_right_logical3A_328 = arith.shrui %add3A_321, %shift_right_logical3A_327 : vector<512x256xi32>
      %or3A_329 = arith.ori %mul3A_325, %shift_right_logical3A_328 : vector<512x256xi32>
      %xor3A_330 = arith.xori %or3A_329, %add3A_322 : vector<512x256xi32>
      %add3A_331 = arith.addi %add3A_322, %xor3A_330 : vector<512x256xi32>
      %mul3A_332 = arith.constant 32768 : i32
      %mul3A_333 = vector.broadcast %mul3A_332 : i32 to vector<512x256xi32>
      %mul3A_334 = arith.muli %xor3A_330, %mul3A_333 : vector<512x256xi32>
      %shift_right_logical3A_335 = arith.constant 17 : i32
      %shift_right_logical3A_336 = vector.broadcast %shift_right_logical3A_335 : i32 to vector<512x256xi32>
      %shift_right_logical3A_337 = arith.shrui %xor3A_330, %shift_right_logical3A_336 : vector<512x256xi32>
      %or3A_338 = arith.ori %mul3A_334, %shift_right_logical3A_337 : vector<512x256xi32>
      %xor3A_339 = arith.xori %or3A_338, %add3A_331 : vector<512x256xi32>
      %add3A_340 = arith.addi %add3A_331, %xor3A_339 : vector<512x256xi32>
      %mul3A_341 = arith.constant 67108864 : i32
      %mul3A_342 = vector.broadcast %mul3A_341 : i32 to vector<512x256xi32>
      %mul3A_343 = arith.muli %xor3A_339, %mul3A_342 : vector<512x256xi32>
      %shift_right_logical3A_344 = arith.constant 6 : i32
      %shift_right_logical3A_345 = vector.broadcast %shift_right_logical3A_344 : i32 to vector<512x256xi32>
      %shift_right_logical3A_346 = arith.shrui %xor3A_339, %shift_right_logical3A_345 : vector<512x256xi32>
      %or3A_347 = arith.ori %mul3A_343, %shift_right_logical3A_346 : vector<512x256xi32>
      %xor3A_348 = arith.xori %or3A_347, %add3A_340 : vector<512x256xi32>
      %add3A_349 = arith.addi %add3A_340, %xor3A_348 : vector<512x256xi32>
      %mul3A_350 = arith.constant 64 : i32
      %mul3A_351 = vector.broadcast %mul3A_350 : i32 to vector<512x256xi32>
      %mul3A_352 = arith.muli %xor3A_348, %mul3A_351 : vector<512x256xi32>
      %shift_right_logical3A_353 = arith.constant 26 : i32
      %shift_right_logical3A_354 = vector.broadcast %shift_right_logical3A_353 : i32 to vector<512x256xi32>
      %shift_right_logical3A_355 = arith.shrui %xor3A_348, %shift_right_logical3A_354 : vector<512x256xi32>
      %or3A_356 = arith.ori %mul3A_352, %shift_right_logical3A_355 : vector<512x256xi32>
      %xor3A_357 = arith.xori %or3A_356, %add3A_349 : vector<512x256xi32>
      %add3A_358 = arith.constant 928981903 : i32
      %add3A_359 = vector.broadcast %add3A_358 : i32 to vector<512x256xi32>
      %add3A_360 = arith.addi %add3A_349, %add3A_359 : vector<512x256xi32>
      %add3A_361 = arith.constant -841280224 : i32
      %add3A_362 = vector.broadcast %add3A_361 : i32 to vector<512x256xi32>
      %add3A_363 = arith.addi %xor3A_357, %add3A_362 : vector<512x256xi32>
      %add3A_364 = arith.addi %add3A_360, %add3A_363 : vector<512x256xi32>
      %mul3A_365 = arith.constant 131072 : i32
      %mul3A_366 = vector.broadcast %mul3A_365 : i32 to vector<512x256xi32>
      %mul3A_367 = arith.muli %add3A_363, %mul3A_366 : vector<512x256xi32>
      %shift_right_logical3A_368 = arith.constant 15 : i32
      %shift_right_logical3A_369 = vector.broadcast %shift_right_logical3A_368 : i32 to vector<512x256xi32>
      %shift_right_logical3A_370 = arith.shrui %add3A_363, %shift_right_logical3A_369 : vector<512x256xi32>
      %or3A_371 = arith.ori %mul3A_367, %shift_right_logical3A_370 : vector<512x256xi32>
      %xor3A_372 = arith.xori %or3A_371, %add3A_364 : vector<512x256xi32>
      %add3A_373 = arith.addi %add3A_364, %xor3A_372 : vector<512x256xi32>
      %mul3A_374 = arith.constant 536870912 : i32
      %mul3A_375 = vector.broadcast %mul3A_374 : i32 to vector<512x256xi32>
      %mul3A_376 = arith.muli %xor3A_372, %mul3A_375 : vector<512x256xi32>
      %shift_right_logical3A_377 = arith.constant 3 : i32
      %shift_right_logical3A_378 = vector.broadcast %shift_right_logical3A_377 : i32 to vector<512x256xi32>
      %shift_right_logical3A_379 = arith.shrui %xor3A_372, %shift_right_logical3A_378 : vector<512x256xi32>
      %or3A_380 = arith.ori %mul3A_376, %shift_right_logical3A_379 : vector<512x256xi32>
      %xor3A_381 = arith.xori %or3A_380, %add3A_373 : vector<512x256xi32>
      %add3A_382 = arith.addi %add3A_373, %xor3A_381 : vector<512x256xi32>
      %mul3A_383 = arith.constant 65536 : i32
      %mul3A_384 = vector.broadcast %mul3A_383 : i32 to vector<512x256xi32>
      %mul3A_385 = arith.muli %xor3A_381, %mul3A_384 : vector<512x256xi32>
      %shift_right_logical3A_386 = arith.constant 16 : i32
      %shift_right_logical3A_387 = vector.broadcast %shift_right_logical3A_386 : i32 to vector<512x256xi32>
      %shift_right_logical3A_388 = arith.shrui %xor3A_381, %shift_right_logical3A_387 : vector<512x256xi32>
      %or3A_389 = arith.ori %mul3A_385, %shift_right_logical3A_388 : vector<512x256xi32>
      %xor3A_390 = arith.xori %or3A_389, %add3A_382 : vector<512x256xi32>
      %add3A_391 = arith.addi %add3A_382, %xor3A_390 : vector<512x256xi32>
      %mul3A_392 = arith.constant 16777216 : i32
      %mul3A_393 = vector.broadcast %mul3A_392 : i32 to vector<512x256xi32>
      %mul3A_394 = arith.muli %xor3A_390, %mul3A_393 : vector<512x256xi32>
      %shift_right_logical3A_395 = arith.constant 8 : i32
      %shift_right_logical3A_396 = vector.broadcast %shift_right_logical3A_395 : i32 to vector<512x256xi32>
      %shift_right_logical3A_397 = arith.shrui %xor3A_390, %shift_right_logical3A_396 : vector<512x256xi32>
      %or3A_398 = arith.ori %mul3A_394, %shift_right_logical3A_397 : vector<512x256xi32>
      %xor3A_399 = arith.xori %or3A_398, %add3A_391 : vector<512x256xi32>
      %add3A_400 = arith.constant -841280227 : i32
      %add3A_401 = vector.broadcast %add3A_400 : i32 to vector<512x256xi32>
      %add3A_402 = arith.addi %add3A_391, %add3A_401 : vector<512x256xi32>
      %add3A_403 = arith.constant -514511540 : i32
      %add3A_404 = vector.broadcast %add3A_403 : i32 to vector<512x256xi32>
      %add3A_405 = arith.addi %xor3A_399, %add3A_404 : vector<512x256xi32>
      %add3A_406 = arith.addi %add3A_402, %add3A_405 : vector<512x256xi32>
      %mul3A_407 = arith.constant 8192 : i32
      %mul3A_408 = vector.broadcast %mul3A_407 : i32 to vector<512x256xi32>
      %mul3A_409 = arith.muli %add3A_405, %mul3A_408 : vector<512x256xi32>
      %shift_right_logical3A_410 = arith.constant 19 : i32
      %shift_right_logical3A_411 = vector.broadcast %shift_right_logical3A_410 : i32 to vector<512x256xi32>
      %shift_right_logical3A_412 = arith.shrui %add3A_405, %shift_right_logical3A_411 : vector<512x256xi32>
      %or3A_413 = arith.ori %mul3A_409, %shift_right_logical3A_412 : vector<512x256xi32>
      %xor3A_414 = arith.xori %or3A_413, %add3A_406 : vector<512x256xi32>
      %add3A_415 = arith.addi %add3A_406, %xor3A_414 : vector<512x256xi32>
      %mul3A_416 = arith.constant 32768 : i32
      %mul3A_417 = vector.broadcast %mul3A_416 : i32 to vector<512x256xi32>
      %mul3A_418 = arith.muli %xor3A_414, %mul3A_417 : vector<512x256xi32>
      %shift_right_logical3A_419 = arith.constant 17 : i32
      %shift_right_logical3A_420 = vector.broadcast %shift_right_logical3A_419 : i32 to vector<512x256xi32>
      %shift_right_logical3A_421 = arith.shrui %xor3A_414, %shift_right_logical3A_420 : vector<512x256xi32>
      %or3A_422 = arith.ori %mul3A_418, %shift_right_logical3A_421 : vector<512x256xi32>
      %xor3A_423 = arith.xori %or3A_422, %add3A_415 : vector<512x256xi32>
      %add3A_424 = arith.addi %add3A_415, %xor3A_423 : vector<512x256xi32>
      %mul3A_425 = arith.constant 67108864 : i32
      %mul3A_426 = vector.broadcast %mul3A_425 : i32 to vector<512x256xi32>
      %mul3A_427 = arith.muli %xor3A_423, %mul3A_426 : vector<512x256xi32>
      %shift_right_logical3A_428 = arith.constant 6 : i32
      %shift_right_logical3A_429 = vector.broadcast %shift_right_logical3A_428 : i32 to vector<512x256xi32>
      %shift_right_logical3A_430 = arith.shrui %xor3A_423, %shift_right_logical3A_429 : vector<512x256xi32>
      %or3A_431 = arith.ori %mul3A_427, %shift_right_logical3A_430 : vector<512x256xi32>
      %xor3A_432 = arith.xori %or3A_431, %add3A_424 : vector<512x256xi32>
      %add3A_433 = arith.addi %add3A_424, %xor3A_432 : vector<512x256xi32>
      %mul3A_434 = arith.constant 64 : i32
      %mul3A_435 = vector.broadcast %mul3A_434 : i32 to vector<512x256xi32>
      %mul3A_436 = arith.muli %xor3A_432, %mul3A_435 : vector<512x256xi32>
      %shift_right_logical3A_437 = arith.constant 26 : i32
      %shift_right_logical3A_438 = vector.broadcast %shift_right_logical3A_437 : i32 to vector<512x256xi32>
      %shift_right_logical3A_439 = arith.shrui %xor3A_432, %shift_right_logical3A_438 : vector<512x256xi32>
      %or3A_440 = arith.ori %mul3A_436, %shift_right_logical3A_439 : vector<512x256xi32>
      %xor3A_441 = arith.xori %or3A_440, %add3A_433 : vector<512x256xi32>
      %add3A_442 = arith.constant -514511544 : i32
      %add3A_443 = vector.broadcast %add3A_442 : i32 to vector<512x256xi32>
      %add3A_444 = arith.addi %add3A_433, %add3A_443 : vector<512x256xi32>
      %add3A_445 = arith.constant 928981908 : i32
      %add3A_446 = vector.broadcast %add3A_445 : i32 to vector<512x256xi32>
      %add3A_447 = arith.addi %xor3A_441, %add3A_446 : vector<512x256xi32>
      %xor3A_448 = arith.xori %add3A_444, %add3A_447 : vector<512x256xi32>
      %shift_right_logical3A_449 = arith.constant 9 : i32
      %shift_right_logical3A_450 = vector.broadcast %shift_right_logical3A_449 : i32 to vector<512x256xi32>
      %shift_right_logical3A_451 = arith.shrui %xor3A_448, %shift_right_logical3A_450 : vector<512x256xi32>
      %or3A_452 = arith.constant 1065353216 : i32
      %or3A_453 = vector.broadcast %or3A_452 : i32 to vector<512x256xi32>
      %or3A_454 = arith.ori %shift_right_logical3A_451, %or3A_453 : vector<512x256xi32>
      %bitcast_convert_type3A = tpu.bitcast %or3A_454 : vector<512x256xi32> -> vector<512x256xf32>
      %sub3A_455 = arith.constant 1.000000e+00 : f32
      %sub3A_456 = vector.broadcast %sub3A_455 : f32 to vector<512x256xf32>
      %sub3A_457 = arith.subf %bitcast_convert_type3A, %sub3A_456 : vector<512x256xf32>
      %add3A_458 = arith.constant 1.17549435E-38 : f32
      %add3A_459 = vector.broadcast %add3A_458 : f32 to vector<512x256xf32>
      %add3A_460 = arith.addf %sub3A_457, %add3A_459 : vector<512x256xf32>
      %log3A_461 = math.log %add3A_460 : vector<512x256xf32>
      %neg3A = arith.constant 0.000000e+00 : f32
      %neg3A_462 = vector.broadcast %neg3A : f32 to vector<512x256xf32>
      %neg3A_463 = arith.subf %neg3A_462, %log3A_461 : vector<512x256xf32>
      %log3A_464 = math.log %neg3A_463 : vector<512x256xf32>
      %neg3A_465 = arith.constant 0.000000e+00 : f32
      %neg3A_466 = vector.broadcast %neg3A_465 : f32 to vector<512x256xf32>
      %neg3A_467 = arith.subf %neg3A_466, %log3A_464 : vector<512x256xf32>
      %get3A_468 = arith.index_cast %mul3A_231 : i32 to index
      %get3A_469 = arith.constant 0 : index
      %get3A_470 = vector.load %arg7[%get3A_468, %get3A_469] : memref<4096x256xf32, #tpu.memory_space<vmem>>, vector<512x256xf32>
      %add3A_471 = arith.addf %neg3A_467, %get3A_470 : vector<512x256xf32>
      %reduce_max3A = arith.constant dense<0xFF800000> : vector<256xf32>
      %reduce_max3A_472 = vector.multi_reduction <maximumf>, %add3A_471, %reduce_max3A [0] : vector<512x256xf32> to vector<256xf32>
      %broadcast_in_dim3A_473 = vector.shape_cast %reduce_max3A_472 : vector<256xf32> to vector<1x256xf32>
      %iota3A_474 = tpu.iota {dimensions = array<i32: 0>} : vector<512x256xi32>
      %add3A_475 = vector.broadcast %mul3A_231 : i32 to vector<512x256xi32>
      %add3A_476 = arith.addi %add3A_475, %iota3A_474 : vector<512x256xi32>
      %eq3A_477 = vector.broadcast %broadcast_in_dim3A_473 : vector<1x256xf32> to vector<512x256xf32>
      %eq3A_478 = arith.cmpf oeq, %add3A_471, %eq3A_477 : vector<512x256xf32>
      %jit3A_479 = arith.constant 4096 : i32
      %broadcast_in_dim3A_480 = vector.broadcast %jit3A_479 : i32 to vector<512x256xi32>
      %select_n3A_481 = arith.select %eq3A_478, %add3A_476, %broadcast_in_dim3A_480 : vector<512x256xi1>, vector<512x256xi32>
      %reduce_min3A = arith.constant dense<2147483647> : vector<256xi32>
      %reduce_min3A_482 = vector.multi_reduction <minsi>, %select_n3A_481, %reduce_min3A [0] : vector<512x256xi32> to vector<256xi32>
      %broadcast_in_dim3A_483 = vector.shape_cast %reduce_min3A_482 : vector<256xi32> to vector<1x256xi32>
      %gt3A_484 = arith.cmpf ogt, %broadcast_in_dim3A_473, %scan3A_228 : vector<1x256xf32>
      %select_n3A_485 = arith.select %gt3A_484, %broadcast_in_dim3A_473, %scan3A_228 : vector<1x256xi1>, vector<1x256xf32>
      %select_n3A_486 = arith.select %gt3A_484, %broadcast_in_dim3A_483, %scan3A_229 : vector<1x256xi1>, vector<1x256xi32>
      scf.yield %select_n3A_485, %select_n3A_486 : vector<1x256xf32>, vector<1x256xi32>
    }
    %scan3A_210 = arith.constant 8 : i32
    %swap3A_211 = arith.constant 0 : index
    %swap3A_212 = arith.constant 0 : index
    %swap3A_213 = vector.load %arg5[%swap3A_211, %swap3A_212] : memref<1x256xi32, #tpu.memory_space<vmem>>, vector<1x256xi32>
    tpu.vector_store %arg5[%swap3A_211, %swap3A_212], %scan3A_209#1 {strides = array<i32>} : memref<1x256xi32, #tpu.memory_space<vmem>>, vector<1x256xi32>,
    %broadcast_in_dim3A_214 = arith.constant 0xFF800000 : f32
    %broadcast_in_dim3A_215 = vector.broadcast %broadcast_in_dim3A_214 : f32 to vector<1x256xf32>
    %broadcast_in_dim3A_216 = arith.constant 0 : i32
    %broadcast_in_dim3A_217 = vector.broadcast %broadcast_in_dim3A_216 : i32 to vector<1x256xi32>
    %scan3A_218 = arith.constant 0 : i32
    %scan3A_219 = arith.constant 8 : i32
    %scan3A_220 = arith.addi %scan3A_218, %scan3A_219 : i32
    %scan3A_221 = arith.constant 1 : i32
    %scan3A_222:2 = scf.for %scan3A_227 = %scan3A_218 to %scan3A_220 step %scan3A_221 iter_args(%scan3A_228 = %broadcast_in_dim3A_215, %scan3A_229 = %broadcast_in_dim3A_217) -> (vector<1x256xf32>, vector<1x256xi32>)  : i32 {
      %mul3A_230 = arith.constant 512 : i32
      %mul3A_231 = arith.muli %scan3A_227, %mul3A_230 : i32
      %add3A_232 = arith.constant 33554432 : i32
      %add3A_233 = arith.addi %add3A_232, %mul3A_231 : i32
      %add3A_234 = vector.broadcast %add3A_233 : i32 to vector<512x256xi32>
      %add3A_235 = arith.addi %add3A_187, %add3A_234 : vector<512x256xi32>
      %broadcast_in_dim3A_236 = arith.constant 928981903 : i32
      %broadcast_in_dim3A_237 = vector.broadcast %broadcast_in_dim3A_236 : i32 to vector<512x256xi32>
      %add3A_238 = arith.constant -841280227 : i32
      %add3A_239 = vector.broadcast %add3A_238 : i32 to vector<512x256xi32>
      %add3A_240 = arith.addi %add3A_235, %add3A_239 : vector<512x256xi32>
      %add3A_241 = arith.addi %broadcast_in_dim3A_237, %add3A_240 : vector<512x256xi32>
      %mul3A_242 = arith.constant 8192 : i32
      %mul3A_243 = vector.broadcast %mul3A_242 : i32 to vector<512x256xi32>
      %mul3A_244 = arith.muli %add3A_240, %mul3A_243 : vector<512x256xi32>
      %shift_right_logical3A = arith.constant 19 : i32
      %shift_right_logical3A_245 = vector.broadcast %shift_right_logical3A : i32 to vector<512x256xi32>
      %shift_right_logical3A_246 = arith.shrui %add3A_240, %shift_right_logical3A_245 : vector<512x256xi32>
      %or3A = arith.ori %mul3A_244, %shift_right_logical3A_246 : vector<512x256xi32>
      %xor3A = arith.xori %or3A, %add3A_241 : vector<512x256xi32>
      %add3A_247 = arith.addi %add3A_241, %xor3A : vector<512x256xi32>
      %mul3A_248 = arith.constant 32768 : i32
      %mul3A_249 = vector.broadcast %mul3A_248 : i32 to vector<512x256xi32>
      %mul3A_250 = arith.muli %xor3A, %mul3A_249 : vector<512x256xi32>
      %shift_right_logical3A_251 = arith.constant 17 : i32
      %shift_right_logical3A_252 = vector.broadcast %shift_right_logical3A_251 : i32 to vector<512x256xi32>
      %shift_right_logical3A_253 = arith.shrui %xor3A, %shift_right_logical3A_252 : vector<512x256xi32>
      %or3A_254 = arith.ori %mul3A_250, %shift_right_logical3A_253 : vector<512x256xi32>
      %xor3A_255 = arith.xori %or3A_254, %add3A_247 : vector<512x256xi32>
      %add3A_256 = arith.addi %add3A_247, %xor3A_255 : vector<512x256xi32>
      %mul3A_257 = arith.constant 67108864 : i32
      %mul3A_258 = vector.broadcast %mul3A_257 : i32 to vector<512x256xi32>
      %mul3A_259 = arith.muli %xor3A_255, %mul3A_258 : vector<512x256xi32>
      %shift_right_logical3A_260 = arith.constant 6 : i32
      %shift_right_logical3A_261 = vector.broadcast %shift_right_logical3A_260 : i32 to vector<512x256xi32>
      %shift_right_logical3A_262 = arith.shrui %xor3A_255, %shift_right_logical3A_261 : vector<512x256xi32>
      %or3A_263 = arith.ori %mul3A_259, %shift_right_logical3A_262 : vector<512x256xi32>
      %xor3A_264 = arith.xori %or3A_263, %add3A_256 : vector<512x256xi32>
      %add3A_265 = arith.addi %add3A_256, %xor3A_264 : vector<512x256xi32>
      %mul3A_266 = arith.constant 64 : i32
      %mul3A_267 = vector.broadcast %mul3A_266 : i32 to vector<512x256xi32>
      %mul3A_268 = arith.muli %xor3A_264, %mul3A_267 : vector<512x256xi32>
      %shift_right_logical3A_269 = arith.constant 26 : i32
      %shift_right_logical3A_270 = vector.broadcast %shift_right_logical3A_269 : i32 to vector<512x256xi32>
      %shift_right_logical3A_271 = arith.shrui %xor3A_264, %shift_right_logical3A_270 : vector<512x256xi32>
      %or3A_272 = arith.ori %mul3A_268, %shift_right_logical3A_271 : vector<512x256xi32>
      %xor3A_273 = arith.xori %or3A_272, %add3A_265 : vector<512x256xi32>
      %add3A_274 = arith.constant -841280227 : i32
      %add3A_275 = vector.broadcast %add3A_274 : i32 to vector<512x256xi32>
      %add3A_276 = arith.addi %add3A_265, %add3A_275 : vector<512x256xi32>
      %add3A_277 = arith.constant -514511543 : i32
      %add3A_278 = vector.broadcast %add3A_277 : i32 to vector<512x256xi32>
      %add3A_279 = arith.addi %xor3A_273, %add3A_278 : vector<512x256xi32>
      %add3A_280 = arith.addi %add3A_276, %add3A_279 : vector<512x256xi32>
      %mul3A_281 = arith.constant 131072 : i32
      %mul3A_282 = vector.broadcast %mul3A_281 : i32 to vector<512x256xi32>
      %mul3A_283 = arith.muli %add3A_279, %mul3A_282 : vector<512x256xi32>
      %shift_right_logical3A_284 = arith.constant 15 : i32
      %shift_right_logical3A_285 = vector.broadcast %shift_right_logical3A_284 : i32 to vector<512x256xi32>
      %shift_right_logical3A_286 = arith.shrui %add3A_279, %shift_right_logical3A_285 : vector<512x256xi32>
      %or3A_287 = arith.ori %mul3A_283, %shift_right_logical3A_286 : vector<512x256xi32>
      %xor3A_288 = arith.xori %or3A_287, %add3A_280 : vector<512x256xi32>
      %add3A_289 = arith.addi %add3A_280, %xor3A_288 : vector<512x256xi32>
      %mul3A_290 = arith.constant 536870912 : i32
      %mul3A_291 = vector.broadcast %mul3A_290 : i32 to vector<512x256xi32>
      %mul3A_292 = arith.muli %xor3A_288, %mul3A_291 : vector<512x256xi32>
      %shift_right_logical3A_293 = arith.constant 3 : i32
      %shift_right_logical3A_294 = vector.broadcast %shift_right_logical3A_293 : i32 to vector<512x256xi32>
      %shift_right_logical3A_295 = arith.shrui %xor3A_288, %shift_right_logical3A_294 : vector<512x256xi32>
      %or3A_296 = arith.ori %mul3A_292, %shift_right_logical3A_295 : vector<512x256xi32>
      %xor3A_297 = arith.xori %or3A_296, %add3A_289 : vector<512x256xi32>
      %add3A_298 = arith.addi %add3A_289, %xor3A_297 : vector<512x256xi32>
      %mul3A_299 = arith.constant 65536 : i32
      %mul3A_300 = vector.broadcast %mul3A_299 : i32 to vector<512x256xi32>
      %mul3A_301 = arith.muli %xor3A_297, %mul3A_300 : vector<512x256xi32>
      %shift_right_logical3A_302 = arith.constant 16 : i32
      %shift_right_logical3A_303 = vector.broadcast %shift_right_logical3A_302 : i32 to vector<512x256xi32>
      %shift_right_logical3A_304 = arith.shrui %xor3A_297, %shift_right_logical3A_303 : vector<512x256xi32>
      %or3A_305 = arith.ori %mul3A_301, %shift_right_logical3A_304 : vector<512x256xi32>
      %xor3A_306 = arith.xori %or3A_305, %add3A_298 : vector<512x256xi32>
      %add3A_307 = arith.addi %add3A_298, %xor3A_306 : vector<512x256xi32>
      %mul3A_308 = arith.constant 16777216 : i32
      %mul3A_309 = vector.broadcast %mul3A_308 : i32 to vector<512x256xi32>
      %mul3A_310 = arith.muli %xor3A_306, %mul3A_309 : vector<512x256xi32>
      %shift_right_logical3A_311 = arith.constant 8 : i32
      %shift_right_logical3A_312 = vector.broadcast %shift_right_logical3A_311 : i32 to vector<512x256xi32>
      %shift_right_logical3A_313 = arith.shrui %xor3A_306, %shift_right_logical3A_312 : vector<512x256xi32>
      %or3A_314 = arith.ori %mul3A_310, %shift_right_logical3A_313 : vector<512x256xi32>
      %xor3A_315 = arith.xori %or3A_314, %add3A_307 : vector<512x256xi32>
      %add3A_316 = arith.constant -514511544 : i32
      %add3A_317 = vector.broadcast %add3A_316 : i32 to vector<512x256xi32>
      %add3A_318 = arith.addi %add3A_307, %add3A_317 : vector<512x256xi32>
      %add3A_319 = arith.constant 928981905 : i32
      %add3A_320 = vector.broadcast %add3A_319 : i32 to vector<512x256xi32>
      %add3A_321 = arith.addi %xor3A_315, %add3A_320 : vector<512x256xi32>
      %add3A_322 = arith.addi %add3A_318, %add3A_321 : vector<512x256xi32>
      %mul3A_323 = arith.constant 8192 : i32
      %mul3A_324 = vector.broadcast %mul3A_323 : i32 to vector<512x256xi32>
      %mul3A_325 = arith.muli %add3A_321, %mul3A_324 : vector<512x256xi32>
      %shift_right_logical3A_326 = arith.constant 19 : i32
      %shift_right_logical3A_327 = vector.broadcast %shift_right_logical3A_326 : i32 to vector<512x256xi32>
      %shift_right_logical3A_328 = arith.shrui %add3A_321, %shift_right_logical3A_327 : vector<512x256xi32>
      %or3A_329 = arith.ori %mul3A_325, %shift_right_logical3A_328 : vector<512x256xi32>
      %xor3A_330 = arith.xori %or3A_329, %add3A_322 : vector<512x256xi32>
      %add3A_331 = arith.addi %add3A_322, %xor3A_330 : vector<512x256xi32>
      %mul3A_332 = arith.constant 32768 : i32
      %mul3A_333 = vector.broadcast %mul3A_332 : i32 to vector<512x256xi32>
      %mul3A_334 = arith.muli %xor3A_330, %mul3A_333 : vector<512x256xi32>
      %shift_right_logical3A_335 = arith.constant 17 : i32
      %shift_right_logical3A_336 = vector.broadcast %shift_right_logical3A_335 : i32 to vector<512x256xi32>
      %shift_right_logical3A_337 = arith.shrui %xor3A_330, %shift_right_logical3A_336 : vector<512x256xi32>
      %or3A_338 = arith.ori %mul3A_334, %shift_right_logical3A_337 : vector<512x256xi32>
      %xor3A_339 = arith.xori %or3A_338, %add3A_331 : vector<512x256xi32>
      %add3A_340 = arith.addi %add3A_331, %xor3A_339 : vector<512x256xi32>
      %mul3A_341 = arith.constant 67108864 : i32
      %mul3A_342 = vector.broadcast %mul3A_341 : i32 to vector<512x256xi32>
      %mul3A_343 = arith.muli %xor3A_339, %mul3A_342 : vector<512x256xi32>
      %shift_right_logical3A_344 = arith.constant 6 : i32
      %shift_right_logical3A_345 = vector.broadcast %shift_right_logical3A_344 : i32 to vector<512x256xi32>
      %shift_right_logical3A_346 = arith.shrui %xor3A_339, %shift_right_logical3A_345 : vector<512x256xi32>
      %or3A_347 = arith.ori %mul3A_343, %shift_right_logical3A_346 : vector<512x256xi32>
      %xor3A_348 = arith.xori %or3A_347, %add3A_340 : vector<512x256xi32>
      %add3A_349 = arith.addi %add3A_340, %xor3A_348 : vector<512x256xi32>
      %mul3A_350 = arith.constant 64 : i32
      %mul3A_351 = vector.broadcast %mul3A_350 : i32 to vector<512x256xi32>
      %mul3A_352 = arith.muli %xor3A_348, %mul3A_351 : vector<512x256xi32>
      %shift_right_logical3A_353 = arith.constant 26 : i32
      %shift_right_logical3A_354 = vector.broadcast %shift_right_logical3A_353 : i32 to vector<512x256xi32>
      %shift_right_logical3A_355 = arith.shrui %xor3A_348, %shift_right_logical3A_354 : vector<512x256xi32>
      %or3A_356 = arith.ori %mul3A_352, %shift_right_logical3A_355 : vector<512x256xi32>
      %xor3A_357 = arith.xori %or3A_356, %add3A_349 : vector<512x256xi32>
      %add3A_358 = arith.constant 928981903 : i32
      %add3A_359 = vector.broadcast %add3A_358 : i32 to vector<512x256xi32>
      %add3A_360 = arith.addi %add3A_349, %add3A_359 : vector<512x256xi32>
      %add3A_361 = arith.constant -841280224 : i32
      %add3A_362 = vector.broadcast %add3A_361 : i32 to vector<512x256xi32>
      %add3A_363 = arith.addi %xor3A_357, %add3A_362 : vector<512x256xi32>
      %add3A_364 = arith.addi %add3A_360, %add3A_363 : vector<512x256xi32>
      %mul3A_365 = arith.constant 131072 : i32
      %mul3A_366 = vector.broadcast %mul3A_365 : i32 to vector<512x256xi32>
      %mul3A_367 = arith.muli %add3A_363, %mul3A_366 : vector<512x256xi32>
      %shift_right_logical3A_368 = arith.constant 15 : i32
      %shift_right_logical3A_369 = vector.broadcast %shift_right_logical3A_368 : i32 to vector<512x256xi32>
      %shift_right_logical3A_370 = arith.shrui %add3A_363, %shift_right_logical3A_369 : vector<512x256xi32>
      %or3A_371 = arith.ori %mul3A_367, %shift_right_logical3A_370 : vector<512x256xi32>
      %xor3A_372 = arith.xori %or3A_371, %add3A_364 : vector<512x256xi32>
      %add3A_373 = arith.addi %add3A_364, %xor3A_372 : vector<512x256xi32>
      %mul3A_374 = arith.constant 536870912 : i32
      %mul3A_375 = vector.broadcast %mul3A_374 : i32 to vector<512x256xi32>
      %mul3A_376 = arith.muli %xor3A_372, %mul3A_375 : vector<512x256xi32>
      %shift_right_logical3A_377 = arith.constant 3 : i32
      %shift_right_logical3A_378 = vector.broadcast %shift_right_logical3A_377 : i32 to vector<512x256xi32>
      %shift_right_logical3A_379 = arith.shrui %xor3A_372, %shift_right_logical3A_378 : vector<512x256xi32>
      %or3A_380 = arith.ori %mul3A_376, %shift_right_logical3A_379 : vector<512x256xi32>
      %xor3A_381 = arith.xori %or3A_380, %add3A_373 : vector<512x256xi32>
      %add3A_382 = arith.addi %add3A_373, %xor3A_381 : vector<512x256xi32>
      %mul3A_383 = arith.constant 65536 : i32
      %mul3A_384 = vector.broadcast %mul3A_383 : i32 to vector<512x256xi32>
      %mul3A_385 = arith.muli %xor3A_381, %mul3A_384 : vector<512x256xi32>
      %shift_right_logical3A_386 = arith.constant 16 : i32
      %shift_right_logical3A_387 = vector.broadcast %shift_right_logical3A_386 : i32 to vector<512x256xi32>
      %shift_right_logical3A_388 = arith.shrui %xor3A_381, %shift_right_logical3A_387 : vector<512x256xi32>
      %or3A_389 = arith.ori %mul3A_385, %shift_right_logical3A_388 : vector<512x256xi32>
      %xor3A_390 = arith.xori %or3A_389, %add3A_382 : vector<512x256xi32>
      %add3A_391 = arith.addi %add3A_382, %xor3A_390 : vector<512x256xi32>
      %mul3A_392 = arith.constant 16777216 : i32
      %mul3A_393 = vector.broadcast %mul3A_392 : i32 to vector<512x256xi32>
      %mul3A_394 = arith.muli %xor3A_390, %mul3A_393 : vector<512x256xi32>
      %shift_right_logical3A_395 = arith.constant 8 : i32
      %shift_right_logical3A_396 = vector.broadcast %shift_right_logical3A_395 : i32 to vector<512x256xi32>
      %shift_right_logical3A_397 = arith.shrui %xor3A_390, %shift_right_logical3A_396 : vector<512x256xi32>
      %or3A_398 = arith.ori %mul3A_394, %shift_right_logical3A_397 : vector<512x256xi32>
      %xor3A_399 = arith.xori %or3A_398, %add3A_391 : vector<512x256xi32>
      %add3A_400 = arith.constant -841280227 : i32
      %add3A_401 = vector.broadcast %add3A_400 : i32 to vector<512x256xi32>
      %add3A_402 = arith.addi %add3A_391, %add3A_401 : vector<512x256xi32>
      %add3A_403 = arith.constant -514511540 : i32
      %add3A_404 = vector.broadcast %add3A_403 : i32 to vector<512x256xi32>
      %add3A_405 = arith.addi %xor3A_399, %add3A_404 : vector<512x256xi32>
      %add3A_406 = arith.addi %add3A_402, %add3A_405 : vector<512x256xi32>
      %mul3A_407 = arith.constant 8192 : i32
      %mul3A_408 = vector.broadcast %mul3A_407 : i32 to vector<512x256xi32>
      %mul3A_409 = arith.muli %add3A_405, %mul3A_408 : vector<512x256xi32>
      %shift_right_logical3A_410 = arith.constant 19 : i32
      %shift_right_logical3A_411 = vector.broadcast %shift_right_logical3A_410 : i32 to vector<512x256xi32>
      %shift_right_logical3A_412 = arith.shrui %add3A_405, %shift_right_logical3A_411 : vector<512x256xi32>
      %or3A_413 = arith.ori %mul3A_409, %shift_right_logical3A_412 : vector<512x256xi32>
      %xor3A_414 = arith.xori %or3A_413, %add3A_406 : vector<512x256xi32>
      %add3A_415 = arith.addi %add3A_406, %xor3A_414 : vector<512x256xi32>
      %mul3A_416 = arith.constant 32768 : i32
      %mul3A_417 = vector.broadcast %mul3A_416 : i32 to vector<512x256xi32>
      %mul3A_418 = arith.muli %xor3A_414, %mul3A_417 : vector<512x256xi32>
      %shift_right_logical3A_419 = arith.constant 17 : i32
      %shift_right_logical3A_420 = vector.broadcast %shift_right_logical3A_419 : i32 to vector<512x256xi32>
      %shift_right_logical3A_421 = arith.shrui %xor3A_414, %shift_right_logical3A_420 : vector<512x256xi32>
      %or3A_422 = arith.ori %mul3A_418, %shift_right_logical3A_421 : vector<512x256xi32>
      %xor3A_423 = arith.xori %or3A_422, %add3A_415 : vector<512x256xi32>
      %add3A_424 = arith.addi %add3A_415, %xor3A_423 : vector<512x256xi32>
      %mul3A_425 = arith.constant 67108864 : i32
      %mul3A_426 = vector.broadcast %mul3A_425 : i32 to vector<512x256xi32>
      %mul3A_427 = arith.muli %xor3A_423, %mul3A_426 : vector<512x256xi32>
      %shift_right_logical3A_428 = arith.constant 6 : i32
      %shift_right_logical3A_429 = vector.broadcast %shift_right_logical3A_428 : i32 to vector<512x256xi32>
      %shift_right_logical3A_430 = arith.shrui %xor3A_423, %shift_right_logical3A_429 : vector<512x256xi32>
      %or3A_431 = arith.ori %mul3A_427, %shift_right_logical3A_430 : vector<512x256xi32>
      %xor3A_432 = arith.xori %or3A_431, %add3A_424 : vector<512x256xi32>
      %add3A_433 = arith.addi %add3A_424, %xor3A_432 : vector<512x256xi32>
      %mul3A_434 = arith.constant 64 : i32
      %mul3A_435 = vector.broadcast %mul3A_434 : i32 to vector<512x256xi32>
      %mul3A_436 = arith.muli %xor3A_432, %mul3A_435 : vector<512x256xi32>
      %shift_right_logical3A_437 = arith.constant 26 : i32
      %shift_right_logical3A_438 = vector.broadcast %shift_right_logical3A_437 : i32 to vector<512x256xi32>
      %shift_right_logical3A_439 = arith.shrui %xor3A_432, %shift_right_logical3A_438 : vector<512x256xi32>
      %or3A_440 = arith.ori %mul3A_436, %shift_right_logical3A_439 : vector<512x256xi32>
      %xor3A_441 = arith.xori %or3A_440, %add3A_433 : vector<512x256xi32>
      %add3A_442 = arith.constant -514511544 : i32
      %add3A_443 = vector.broadcast %add3A_442 : i32 to vector<512x256xi32>
      %add3A_444 = arith.addi %add3A_433, %add3A_443 : vector<512x256xi32>
      %add3A_445 = arith.constant 928981908 : i32
      %add3A_446 = vector.broadcast %add3A_445 : i32 to vector<512x256xi32>
      %add3A_447 = arith.addi %xor3A_441, %add3A_446 : vector<512x256xi32>
      %xor3A_448 = arith.xori %add3A_444, %add3A_447 : vector<512x256xi32>
      %shift_right_logical3A_449 = arith.constant 9 : i32
      %shift_right_logical3A_450 = vector.broadcast %shift_right_logical3A_449 : i32 to vector<512x256xi32>
      %shift_right_logical3A_451 = arith.shrui %xor3A_448, %shift_right_logical3A_450 : vector<512x256xi32>
      %or3A_452 = arith.constant 1065353216 : i32
      %or3A_453 = vector.broadcast %or3A_452 : i32 to vector<512x256xi32>
      %or3A_454 = arith.ori %shift_right_logical3A_451, %or3A_453 : vector<512x256xi32>
      %bitcast_convert_type3A = tpu.bitcast %or3A_454 : vector<512x256xi32> -> vector<512x256xf32>
      %sub3A_455 = arith.constant 1.000000e+00 : f32
      %sub3A_456 = vector.broadcast %sub3A_455 : f32 to vector<512x256xf32>
      %sub3A_457 = arith.subf %bitcast_convert_type3A, %sub3A_456 : vector<512x256xf32>
      %add3A_458 = arith.constant 1.17549435E-38 : f32
      %add3A_459 = vector.broadcast %add3A_458 : f32 to vector<512x256xf32>
      %add3A_460 = arith.addf %sub3A_457, %add3A_459 : vector<512x256xf32>
      %log3A_461 = math.log %add3A_460 : vector<512x256xf32>
      %neg3A = arith.constant 0.000000e+00 : f32
      %neg3A_462 = vector.broadcast %neg3A : f32 to vector<512x256xf32>
      %neg3A_463 = arith.subf %neg3A_462, %log3A_461 : vector<512x256xf32>
      %log3A_464 = math.log %neg3A_463 : vector<512x256xf32>
      %neg3A_465 = arith.constant 0.000000e+00 : f32
      %neg3A_466 = vector.broadcast %neg3A_465 : f32 to vector<512x256xf32>
      %neg3A_467 = arith.subf %neg3A_466, %log3A_464 : vector<512x256xf32>
      %get3A_468 = arith.index_cast %mul3A_231 : i32 to index
      %get3A_469 = arith.constant 0 : index
      %get3A_470 = vector.load %arg7[%get3A_468, %get3A_469] : memref<4096x256xf32, #tpu.memory_space<vmem>>, vector<512x256xf32>
      %add3A_471 = arith.addf %neg3A_467, %get3A_470 : vector<512x256xf32>
      %reduce_max3A = arith.constant dense<0xFF800000> : vector<256xf32>
      %reduce_max3A_472 = vector.multi_reduction <maximumf>, %add3A_471, %reduce_max3A [0] : vector<512x256xf32> to vector<256xf32>
      %broadcast_in_dim3A_473 = vector.shape_cast %reduce_max3A_472 : vector<256xf32> to vector<1x256xf32>
      %iota3A_474 = tpu.iota {dimensions = array<i32: 0>} : vector<512x256xi32>
      %add3A_475 = vector.broadcast %mul3A_231 : i32 to vector<512x256xi32>
      %add3A_476 = arith.addi %add3A_475, %iota3A_474 : vector<512x256xi32>
      %eq3A_477 = vector.broadcast %broadcast_in_dim3A_473 : vector<1x256xf32> to vector<512x256xf32>
      %eq3A_478 = arith.cmpf oeq, %add3A_471, %eq3A_477 : vector<512x256xf32>
      %jit3A_479 = arith.constant 4096 : i32
      %broadcast_in_dim3A_480 = vector.broadcast %jit3A_479 : i32 to vector<512x256xi32>
      %select_n3A_481 = arith.select %eq3A_478, %add3A_476, %broadcast_in_dim3A_480 : vector<512x256xi1>, vector<512x256xi32>
      %reduce_min3A = arith.constant dense<2147483647> : vector<256xi32>
      %reduce_min3A_482 = vector.multi_reduction <minsi>, %select_n3A_481, %reduce_min3A [0] : vector<512x256xi32> to vector<256xi32>
      %broadcast_in_dim3A_483 = vector.shape_cast %reduce_min3A_482 : vector<256xi32> to vector<1x256xi32>
      %gt3A_484 = arith.cmpf ogt, %broadcast_in_dim3A_473, %scan3A_228 : vector<1x256xf32>
      %select_n3A_485 = arith.select %gt3A_484, %broadcast_in_dim3A_473, %scan3A_228 : vector<1x256xi1>, vector<1x256xf32>
      %select_n3A_486 = arith.select %gt3A_484, %broadcast_in_dim3A_483, %scan3A_229 : vector<1x256xi1>, vector<1x256xi32>
      scf.yield %select_n3A_485, %select_n3A_486 : vector<1x256xf32>, vector<1x256xi32>
    }
    %scan3A_223 = arith.constant 8 : i32
    %swap3A_224 = arith.constant 0 : index
    %swap3A_225 = arith.constant 0 : index
    %swap3A_226 = vector.load %arg6[%swap3A_224, %swap3A_225] : memref<1x256xi32, #tpu.memory_space<vmem>>, vector<1x256xi32>
    tpu.vector_store %arg6[%swap3A_224, %swap3A_225], %scan3A_222#1 {strides = array<i32>} : memref<1x256xi32, #tpu.memory_space<vmem>>, vector<1x256xi32>,
    return
  }
  func.func @transform_0(%arg0: i32) -> (i32, i32) {
    %c0_i32 = arith.constant 0 : i32
    %c0_i32_0 = arith.constant 0 : i32
    %c0_i32_1 = arith.constant 0 : i32
    return %c0_i32, %c0_i32_0 : i32, i32
  }
  func.func @transform_1(%arg0: i32) -> (i32, i32) {
    %c0_i32 = arith.constant 0 : i32
    %c0_i32_0 = arith.constant 0 : i32
    %c0_i32_1 = arith.constant 0 : i32
    return %c0_i32, %c0_i32_0 : i32, i32
  }
  func.func @transform_2(%arg0: i32) -> (i32, i32) {
    %c0_i32 = arith.constant 0 : i32
    %c0_i32_0 = arith.constant 0 : i32
    return %c0_i32, %arg0 : i32, i32
  }
  func.func @transform_3(%arg0: i32) -> (i32, i32) {
    %c0_i32 = arith.constant 0 : i32
    %c0_i32_0 = arith.constant 0 : i32
    return %c0_i32, %arg0 : i32, i32
  }
  func.func @transform_4(%arg0: i32) -> (i32, i32) {
    %c0_i32 = arith.constant 0 : i32
    %c0_i32_0 = arith.constant 0 : i32
    return %c0_i32, %arg0 : i32, i32
  }
  func.func @transform_5(%arg0: i32) -> (i32, i32) {
    %c0_i32 = arith.constant 0 : i32
    %c0_i32_0 = arith.constant 0 : i32
    return %c0_i32, %arg0 : i32, i32
  }
}

</mosaic_0001>

<sc_bundles>
// kernel: kernel.6.cloned.1.call-start
scs
__scs_entry_jumppad:
0x0: {  	(pc) =	sbr.rel $0x88, $3  }
0x1: {  	(tag) =	ssettag $0x0;
	lr =	simm.s32 $0x1  }
0x2: {  	[smem:$0x3FA0] =	sst lr;
	_ =	strace $0xD0000000  }
0x3: {  	_ = 	snop  }
0x4: {  	_ = 	snop  }
0x5: {  	_ = 	snop  }
0x6: {  	_ = 	snop  }
0x7: {  	_ = 	snop  }
__scs_overlays_trampoline_lowered:
0x8: {  	[smem:$0x3FAF] =	sst s0  }
0x9: {  	[smem:$0x3FB0] =	sst s1  }
0xa: {  	[smem:$0x3FB1] =	sst s2  }
0xb: {  	[smem:$0x3FB2] =	sst s3  }
0xc: {  	[smem:$0x3FB3] =	sst s4  }
0xd: {  	[smem:$0x3FB4] =	sst s5  }
0xe: {  	[smem:$0x3FB5] =	sst s6  }
0xf: {  	[smem:$0x3FB6] =	sst s7  }
0x10: {  	[smem:$0x3FB7] =	sst s8  }
0x11: {  	[smem:$0x3FB8] =	sst s9;
	s0 =	simm.s32 @!p0 $0x0  }
0x12: {  	s1 =	sld [smem:$0x3F9E];
	s0 =	simm.s32 @p0 $0x1  }
0x13: {  	[smem:$0x3FB9] =	sst s0;
	s0 =	simm.s32 @!p1 $0x0  }
0x14: {  	s2 =	sld [smem:$0x3F9D];
	s0 =	simm.s32 @p1 $0x1  }
0x15: {  	[smem:$0x3FBA] =	sst s0;
	s0 =	simm.s32 @!p2 $0x0  }
0x16: {  	s3 =	sld [smem:$0x3FDB];
	s0 =	simm.s32 @p2 $0x1  }
0x17: {  	s4 =	simm.s32 $0x1BF5;
	[smem:$0x3FBC] =	sst s0  }
0x18: {  	s0 =	sld [smem:$0x3F9F];
	_ =	swait.ge [sflag:s4], $0x0  }
0x19: {  	s7 =	sld [smem:$0x3FA0]  }
0x1a: {  	s8 =	sadd.s32 $0xFFFFE003, lr  }
0x1b: {  	s9 =	sadd.s32 $0xFFFFFEF7, lr;
	s5 =	simm.s32 $0xFFFFFFFF;
	p2 =	slt.u32 s8, $0xFFFFF086  }
0x1c: {  	p1 =	slt.u32 s9, $0xF7A;
	s5 =	simm.s32 @!p2 $0x0  }
0x1d: {  	s5 =	simm.s32 @p1 $0x1;
	p0 =	seq.s32 s7, s2  }
0x1e: {  	s7 =	smul.u32 @!p0 $0xF7A, s2;
	p2 =	seq.s32 @!p0 s5, $0x0  }
0x1f: {  	s9 =	smul.u32 $0xF7A, s1;
	s8 =	simm.s32 @!p0 $0x1BF5;
	p2 =	por !p2, p0  }
0x20: {  	[sflag:s8] =	ssyncset.s32 @!p0 $0xFFFFF086;
	s6 =	sadd.s32 @!p0 s3, s7;
	s7 =	simm.s32 @!p0 $0x108  }
0x21: {  	s3 =	sadd.s32 s3, s9;
	s6 =	sadd.s32 @!p0 $0x88, s6;
	s7 =	simm.s32 @p2 $0x1082  }
0x22: {  	[simem:s7], [sflag:s8] =	dma.local @!p0 [hbm:s6], $0xF7A  }
0x23: {  	s9 =	sor.u32 $0xD0000000, s2;
	s6 =	simm.s32 $0x108;
	_ =	swait.ge @!p0 [sflag:s8], $0x0  }
0x24: {  	s3 =	sadd.s32 $0x88, s3;
	s6 =	simm.s32 @!p1 $0x1082;
	[sflag:s4] =	ssyncset.s32 $0xFFFFF086  }
0x25: {  	[simem:s6], [sflag:s4] =	dma.local [hbm:s3], $0xF7A  }
0x26: {  	[smem:$0x3FA0] =	sst s1;
	(tag) =	ssettag s2;
	_ =	strace s9  }
0x27: {  	s1 =	sld [smem:$0x3FB0]  }
0x28: {  	s2 =	sld [smem:$0x3FB1]  }
0x29: {  	s4 =	sld [smem:$0x3FB3]  }
0x2a: {  	p0 =	seq.s32 s5, $0x0;
	s5 =	sld [smem:$0x3FB4]  }
0x2b: {  	s6 =	sld [smem:$0x3FB5]  }
0x2c: {  	s7 =	sld [smem:$0x3FB6]  }
0x2d: {  	s3 =	simm.s32 $0x108;
	s8 =	sld [smem:$0x3FB7]  }
0x2e: {  	s3 =	simm.s32 @!p0 $0x1082;
	s9 =	sld [smem:$0x3FB8]  }
0x2f: {  	lr =	sadd.s32 s0, s3;
	s0 =	sld [smem:$0x3FAF]  }
0x30: {  	s3 =	sld [smem:$0x3FB2]  }
0x31: {  	[smem:$0x3FBB] =	sst s10  }
0x32: {  	s10 =	sld [smem:$0x3FB9];
	_ =	sdelay $0x3  }
0x33: {  	p0 =	seq.s32 s10, $0x1;
	s10 =	sld [smem:$0x3FBB];
	_ =	sdelay $0x3  }
0x34: {  	[smem:$0x3FBB] =	sst s10  }
0x35: {  	s10 =	sld [smem:$0x3FBA];
	_ =	sdelay $0x3  }
0x36: {  	p1 =	seq.s32 s10, $0x1;
	s10 =	sld [smem:$0x3FBB];
	_ =	sdelay $0x3  }
0x37: {  	[smem:$0x3FBB] =	sst s10  }
0x38: {  	s10 =	sld [smem:$0x3FBC]  }
0x39: {  	_ = 	snop;
	(pc) =	sbr.ind lr, $3  }
0x3a: {  	_ = 	snop  }
0x3b: {  	_ = 	snop  }
0x3c: {  	p2 =	seq.s32 s10, $0x1;
	s10 =	sld [smem:$0x3FBB]  }
0x3d: {  	_ =	shalt  }
0x3e: {  	_ =	shalt  }
0x3f: {  	_ =	shalt  }
0x40: {  	_ =	shalt  }
0x41: {  	_ =	shalt  }
0x42: {  	_ =	shalt  }
0x43: {  	_ =	shalt  }
0x44: {  	_ =	shalt  }
0x45: {  	_ =	shalt  }
0x46: {  	_ =	shalt  }
0x47: {  	_ =	shalt  }
0x48: {  	_ =	shalt  }
0x49: {  	_ =	shalt  }
0x4a: {  	_ =	shalt  }
0x4b: {  	_ =	shalt  }
0x4c: {  	_ =	shalt  }
0x4d: {  	_ =	shalt  }
0x4e: {  	_ =	shalt  }
0x4f: {  	_ =	shalt  }
0x50: {  	_ =	shalt  }
0x51: {  	_ =	shalt  }
0x52: {  	_ =	shalt  }
0x53: {  	_ =	shalt  }
0x54: {  	_ =	shalt  }
0x55: {  	_ =	shalt  }
0x56: {  	_ =	shalt  }
0x57: {  	_ =	shalt  }
0x58: {  	_ =	shalt  }
0x59: {  	_ =	shalt  }
0x5a: {  	_ =	shalt  }
0x5b: {  	_ =	shalt  }
0x5c: {  	_ =	shalt  }
0x5d: {  	_ =	shalt  }
0x5e: {  	_ =	shalt  }
0x5f: {  	_ =	shalt  }
0x60: {  	_ =	shalt  }
0x61: {  	_ =	shalt  }
0x62: {  	_ =	shalt  }
0x63: {  	_ =	shalt  }
0x64: {  	_ =	shalt  }
0x65: {  	_ =	shalt  }
0x66: {  	_ =	shalt  }
0x67: {  	_ =	shalt  }
0x68: {  	_ =	shalt  }
0x69: {  	_ =	shalt  }
0x6a: {  	_ =	shalt  }
0x6b: {  	_ =	shalt  }
0x6c: {  	_ =	shalt  }
0x6d: {  	_ =	shalt  }
0x6e: {  	_ =	shalt  }
0x6f: {  	_ =	shalt  }
0x70: {  	_ =	shalt  }
0x71: {  	_ =	shalt  }
0x72: {  	_ =	shalt  }
0x73: {  	_ =	shalt  }
0x74: {  	_ =	shalt  }
0x75: {  	_ =	shalt  }
0x76: {  	_ =	shalt  }
0x77: {  	_ =	shalt  }
0x78: {  	_ =	shalt  }
0x79: {  	_ =	shalt  }
0x7a: {  	_ =	shalt  }
0x7b: {  	_ =	shalt  }
0x7c: {  	_ =	shalt  }
0x7d: {  	_ =	shalt  }
0x7e: {  	_ =	shalt  }
0x7f: {  	_ =	shalt  }
0x80: {  	_ =	shalt  }
0x81: {  	_ =	shalt  }
0x82: {  	_ =	shalt  }
0x83: {  	_ =	shalt  }
0x84: {  	_ =	shalt  }
0x85: {  	_ =	shalt  }
0x86: {  	_ =	shalt  }
0x87: {  	_ =	shalt  }
.Lfunc_end0:
.L_simem_size_0:
called_computation_lowered:
.L_overlay_start_0:
0x88: {  	s2 =	sld [smem:$0x3FD9]  }
0x89: {  	s3 =	sld [smem:$0x3FFE];
	_ =	sdelay $0x1  }
0x8a: {  	s1 =	srdreg.scid  }
0x8b: {  	s0 =	sand.u32 $0x1, s1  }
0x8c: {  	s15 =	sshll.u32 s0, $0xA;
	s2 =	sadd.s32 s3, s2  }
0x8d: {  	s2 =	sadd.s32 s2, s15  }
0x8e: {  	[smem:$0x3FC7] =	sst s2  }
0x8f: {  	_ = 	snop  }
0x90: {  	s2 =	sld [smem:$0x3FD0];
	_ =	sdelay $0x2  }
0x91: {  	s4 =	simm.s32 $0xB;
	s16 =	simm.s32 $0x10  }
0x92: {  	[smem:s16], [sflag:s4] =	dma.local [hbm:s2], $0x1  }
0x93: {  	_ =	swait.eq [sflag:s4], $0x1  }
0x94: {  	[sflag:s4] =	ssyncset.done $0x0  }
0x95: {  	s17 =	sld [smem:$0x12];
	[sflag:s4] =	ssyncadd.s32 $0xFFFFFFFF  }
0x96: {  	s18 =	sld [smem:$0x14];
	(tm) =	ssettm $0x1  }
0x97: {  	s19 =	sld [smem:$0x3FFB];
	_ =	sdelay $0x3  }
0x98: {  	_ =	strace s19  }
0x99: {  	s2 =	sld [smem:$0x3FFC];
	_ =	sdelay $0x3  }
0x9a: {  	_ =	strace s2  }
0x9b: {  	s2 =	sld [smem:$0x3FFD];
	_ =	sdelay $0x3  }
0x9c: {  	_ =	strace s2  }
0x9d: {  	_ =	strace $0x8FFFFFFF  }
0x9e: {  	s20 =	sld [smem:$0x3FDB];
	_ =	sdelay $0x1  }
0x9f: {  	s5 =	simm.s32 $_scs_section_size  }
0xa0: {  	s6 =	simm.s32 $_size__tile_overlayer_lowered;
	s7 =	simm.s32 $_tile_overlayer_lowered  }
0xa1: {  	s8 =	simm.s32 $0x1BFF;
	s21 =	sshll.u32 s7, $0x1;
	s5 =	sadd.s32 s5, s20  }
0xa2: {  	s22 =	simm.s32 $0x0;
	s6 =	sshll.u32 s6, $0x1;
	s7 =	sadd.s32 s21, s5  }
0xa3: {  	[timem:s22], [sflag:s8] =	dma.local [hbm:s7], s6  }
0xa4: {  	_ =	swait.ge [sflag:s8], s6  }
0xa5: {  	s6 =	ssub.s32 $0x0, s6;
	[sflag:s8] =	ssyncset.done $0x0  }
0xa6: {  	[sflag:s8] =	ssyncadd.s32 s6;
	_ =	sdelay $0x1  }
0xa7: {  	s23 =	simm.s32 $0x1B8B  }
0xa8: {  	_ =	swait.ge [sflag:s23], $0x1  }
0xa9: {  	[sflag:s23] =	ssyncset.done $0x0  }
0xaa: {  	[sflag:s23] =	ssyncadd.s32 $0xFFFFFFFF  }
0xab: {  	s6 =	sld [smem:$0x0]  }
0xac: {  	s7 =	sand.u32 $0xFFFFFFFE, s1  }
0xad: {  	p0 =	sne.s32 s1, s7  }
0xae: {  	s7 =	sshll.u32 @p0 s7, $0xE  }
0xaf: {  	s7 =	sadd.s32 @p0 $0x11B8D, s7;
	s8 =	sshll.u32 @p0 s6, $0x11  }
0xb0: {  	s7 =	sor.u32 @p0 s8, s7  }
0xb1: {  	[sflag:s7] =	ssyncadd.remote.s32 @p0 $0x1;
	_ =	sdelay $0x1  }
0xb2: {  	s7 =	simm.s32 @p0 $0x1B8D  }
0xb3: {  	_ =	swait.eq @p0 [sflag:s7], $0x1  }
0xb4: {  	[sflag:s7] =	ssyncadd.s32 @p0 $0xFFFFFFFF  }
0xb5: {  	s8 =	sshll.u32 @!p0 s1, $0xE  }
0xb6: {  	s8 =	sor.u32 @!p0 $0x4000, s8;
	s7 =	simm.s32 @!p0 $0x1B8D  }
0xb7: {  	s6 =	sshll.u32 @!p0 s6, $0x11;
	s8 =	sadd.s32 @!p0 $0x11B8D, s8;
	_ =	swait.eq @!p0 [sflag:s7], $0x1  }
0xb8: {  	s6 =	sor.u32 @!p0 s6, s8;
	[sflag:s7] =	ssyncadd.s32 @!p0 $0xFFFFFFFF  }
0xb9: {  	s25 =	simm.s32 $0x1B8E;
	s24 =	sld [smem:$0x3FFE];
	[sflag:s6] =	ssyncadd.remote.s32 @!p0 $0x1  }
0xba: {  	s26 =	simm.s32 $execute0_lowered;
	[smem:$0x3FD2] =	sst s25  }
0xbb: {  	s7 =	sshll.u32 s26, $0x1;
	_ =	strace $0x80000049;
	[dreg:$0x1] =	wrdreg $0xFFFFFFFF  }
0xbc: {  	s28 =	simm.s32 $_size_execute0_lowered;
	s5 =	sadd.s32 s5, s7;
	[dreg:$0x0] =	wrdreg $0x0  }
0xbd: {  	s7 =	sshll.u32 s28, $0x1;
	[dreg:$0x2] =	wrdreg s5  }
0xbe: {  	[dreg:$0x3] =	wrdreg s7  }
0xbf: {  	[dreg:$0x4] =	wrdreg $0xC0  }
0xc0: {  	_ =	task [dreg:s22], $0x5FFFF  }
0xc1: {  	[dreg:$0x1] =	wrdreg $0xFFFFFFFF  }
0xc2: {  	[dreg:$0x0] =	wrdreg $0x60  }
0xc3: {  	[dreg:$0x2] =	wrdreg s17  }
0xc4: {  	[dreg:$0x3] =	wrdreg s18  }
0xc5: {  	[dreg:$0x4] =	wrdreg s24  }
0xc6: {  	[dreg:$0x5] =	wrdreg $0x9  }
0xc7: {  	_ =	task.clear_ibuf [dreg:s22], $0x6FFFF;
	_ =	strace $0x90000049  }
0xc8: {  	s29 =	simm.s32 $0x9;
	_ =	strace $0x8000004B  }
0xc9: {  	_ =	swait.ge [sflag:s29], $0x1  }
0xca: {  	[sflag:s29] =	ssyncadd.s32 $0xFFFFFFFF  }
0xcb: {  	_ =	strace $0x9000004B  }
0xcc: {  	_ =	sfence  }
0xcd: {  	s30 =	sld [smem:$0x0];
	_ =	sdelay $0x2  }
0xce: {  	s31 =	sshll.u32 s1, $0xD;
	s1 =	sshrl.u32 s1, $0x2  }
0xcf: {  	s4 =	sand.u32 $0x4000, s31;
	s1 =	sadd.s32 s1, s30  }
0xd0: {  	s0 =	sor.u32 s4, s0;
	s1 =	sshll.u32 s1, $0x11  }
0xd1: {  	s0 =	sor.u32 s1, s0  }
0xd2: {  	s0 =	sadd.s32 $0x8F2B, s0  }
0xd3: {  	[sflag:s0] =	ssyncadd.remote.s32 $0x1  }
0xd4: {  	_ =	sfence.sel $0xFFFF  }
0xd5: {  	[dreg:$0x0] =	wrdreg $0xFFFFFFFF;
	(pc) =	sbr.abs _section_cstart, $3  }
0xd6: {  	[dreg:$0x1] =	wrdreg $0xFFFFFFFF  }
0xd7: {  	_ =	task.clear_ibuf [dreg:s22], $0x2FFFF;
	_ =	strace $0x9FFFFFFF  }
0xd8: {  	(tm) =	ssettm $0x7FFFFFFF  }
0xd9: {  	_ =	shalt  }
tec
execute0_lowered:
.L_overlay_start_1:
0x0: {  	(tag) =	ssettag $0x1  }
0x1: {  	s4 =	rddreg [dreg:$0x0]  }
0x2: {  	s1 =	srdreg.scid;
	s0 =	stileid.u32  }
0x3: {  	s2 =	rddreg [dreg:$0x1];
	s6 =	sand.u32 $0x1, s1;
	s30 =	sshll.u32 s0, $0x1  }
0x4: {  	s8 =	rddreg [dreg:$0x2];
	s3 =	simm.s32 $0x0;
	s7 =	sor.u32 s6, s30  }
0x5: {  	[smem:$0x7FF] =	sst s3;
	s5 =	smul.u32 $0x60, s7  }
0x6: {  	s1 =	rddreg [dreg:$0x3];
	_ =	strace $0x8000004A;
	s10 =	ssub.s32 $0x2, s6  }
0x7: {  	s6 =	simm.s32 $0x300;
	s5 =	sadd.s32 s4, s5;
	s4 =	simm.s32 $0x2  }
0x8: {  	[tilespmem:s3], [sflag:$0x2] =	stream.linear.gather [hbm4b:s5+s3], $0x300, $0x38;
	[tilespmem:$0x3300] =	vst v63  }
0x9: {  	s9 =	smul.u32 $0x600, s7;
	s11 =	sshrl.u32 s10, $0x1;
	_ =	swait.ge [sflag:s4], $0x300  }
0xa: {  	s7 =	simm.s32 $0x1;
	s31 =	ssub.s32 s10, s11;
	[sflag:s4] =	ssyncset.done $0x0  }
0xb: {  	s8 =	sadd.s32 s9, s8;
	s9 =	smax.u32 s31, $0x1;
	[sflag:s4] =	ssyncadd.s32 $0xFFFFFD00  }
0xc: {  	[tilespmem:s6], [sflag:$0x1] =	stream.indirect.gather [hbm4b:s2+s6], $0x10, s3, s6, $0xb8;
	[tilespmem:$0x3300] =	vst v63  }
0xd: {  	p0 =	sne.s32 s9, $0x1;
	_ =	swait.ge [sflag:s7], $0x3000  }
.Ltmp0:
0xe: {  	[sflag:s7] =	ssyncset.done $0x0;
	(pc) =	sbr.rel @!p0 .LBB2_2-.Ltmp0, $4  }
0xf: {  	s8 =	sadd.s32 $0xE00, s8;
	[sflag:s7] =	ssyncadd.s32 $0xFFFFD000  }
0x10: {  	[hbm4b:s8+s3] =	stream.linear.scatter [tilespmem:s6], [sflag:$0x2], $0x3000, $0x38;
	[tilespmem:$0x3300] =	vst v63  }
0x11: {  	_ =	swait.ge [sflag:s4], $0x3000  }
0x12: {  	s9 =	sadd.s32 $0xFFFFFFFF, s9;
	[sflag:s4] =	ssyncset.done $0x0  }
.LBB2_1:
0x13: {  	p0 =	sne.s32 s9, $0x1;
	s9 =	sadd.s32 $0xFFFFFFFF, s9;
	[sflag:s4] =	ssyncadd.s32 $0xFFFFD000  }
0x14: {  	[tilespmem:s3], [sflag:$0x2] =	stream.linear.gather [hbm4b:s5+s3], $0x300, $0x38;
	[tilespmem:$0x3300] =	vst v63  }
0x15: {  	_ =	swait.ge [sflag:s4], $0x300  }
0x16: {  	[sflag:s4] =	ssyncset.done $0x0  }
0x17: {  	[sflag:s4] =	ssyncadd.s32 $0xFFFFFD00  }
0x18: {  	[tilespmem:s6], [sflag:$0x1] =	stream.indirect.gather [hbm4b:s2+s6], $0x10, s3, s6, $0xb8;
	[tilespmem:$0x3300] =	vst v63  }
0x19: {  	_ =	swait.ge [sflag:s7], $0x3000  }
.Ltmp1:
0x1a: {  	[sflag:s7] =	ssyncset.done $0x0;
	(pc) =	sbr.rel @p0 .LBB2_1-.Ltmp1, $4  }
0x1b: {  	[sflag:s7] =	ssyncadd.s32 $0xFFFFD000  }
0x1c: {  	[hbm4b:s8+s3] =	stream.linear.scatter [tilespmem:s6], [sflag:$0x2], $0x3000, $0x38;
	[tilespmem:$0x3300] =	vst v63  }
0x1d: {  	_ =	swait.ge [sflag:s4], $0x3000  }
0x1e: {  	[sflag:s4] =	ssyncset.done $0x0  }
.LBB2_2:
0x1f: {  	[sflag:s4] =	ssyncadd.s32 $0xFFFFD000  }
0x20: {  	_ =	sfence.sel $0x180000  }
0x21: {  	[bflag:$0x0] =	sbarrier.arrive $0xFFFF  }
0x22: {  	p0 =	sne.s32 s0, $0x0;
	_ =	strace $0x9000004A  }
0x23: {  	s0 =	sadd.s32 @!p0 $0x100000, s1;
	[bflag:$0x2] =	sbarrier.arrive $0xFFFF  }
0x24: {  	[sflag:s0] =	ssyncadd.tile.s32 @!p0 $0x1;
	_ =	shalt  }
.Lfunc_end2:
_tile_overlayer_lowered:
.L_overlay_start_2:
0x25: {  	(tag) =	ssettag $0x2  }
0x26: {  	s0 =	rddreg [dreg:$0x0];
	s2 =	stileid.u32  }
0x27: {  	s1 =	rddreg [dreg:$0x1];
	p0 =	sne.s32 s2, $0x0  }
0x28: {  	s3 =	rddreg [dreg:$0x2];
	[bflag:$0x3] =	sbarrier.arrive $0xFFFF;
	s2 =	simm.s32 @!p0 $0x1C02  }
0x29: {  	[timem:s3], [sflag:s2] =	dma.local @!p0 [hbm:s0], s1  }
0x2a: {  	s0 =	simm.s32 @!p0 $0x2  }
0x2b: {  	_ =	swait.ge @!p0 [sflag:s0], s1  }
0x2c: {  	s1 =	ssub.s32 @!p0 $0x0, s1;
	[sflag:s0] =	ssyncset.done @!p0 $0x0  }
0x2d: {  	[sflag:s0] =	ssyncadd.s32 @!p0 s1  }
0x2e: {  	[bflag:$0x3] =	sbarrier.arrive $0xFFFF  }
0x2f: {  	_ =	shalt  }

// kernel: kernel.9.cloned.1.call-start
scs
__scs_entry_jumppad:
0x0: {  	(pc) =	sbr.rel $0x88, $3  }
0x1: {  	(tag) =	ssettag $0x0;
	lr =	simm.s32 $0x1  }
0x2: {  	[smem:$0x3FA0] =	sst lr;
	_ =	strace $0xD0000000  }
0x3: {  	_ = 	snop  }
0x4: {  	_ = 	snop  }
0x5: {  	_ = 	snop  }
0x6: {  	_ = 	snop  }
0x7: {  	_ = 	snop  }
__scs_overlays_trampoline_lowered:
0x8: {  	[smem:$0x3FAF] =	sst s0  }
0x9: {  	[smem:$0x3FB0] =	sst s1  }
0xa: {  	[smem:$0x3FB1] =	sst s2  }
0xb: {  	[smem:$0x3FB2] =	sst s3  }
0xc: {  	[smem:$0x3FB3] =	sst s4  }
0xd: {  	[smem:$0x3FB4] =	sst s5  }
0xe: {  	[smem:$0x3FB5] =	sst s6  }
0xf: {  	[smem:$0x3FB6] =	sst s7  }
0x10: {  	[smem:$0x3FB7] =	sst s8  }
0x11: {  	[smem:$0x3FB8] =	sst s9;
	s0 =	simm.s32 @!p0 $0x0  }
0x12: {  	s1 =	sld [smem:$0x3F9E];
	s0 =	simm.s32 @p0 $0x1  }
0x13: {  	[smem:$0x3FB9] =	sst s0;
	s0 =	simm.s32 @!p1 $0x0  }
0x14: {  	s2 =	sld [smem:$0x3F9D];
	s0 =	simm.s32 @p1 $0x1  }
0x15: {  	[smem:$0x3FBA] =	sst s0;
	s0 =	simm.s32 @!p2 $0x0  }
0x16: {  	s3 =	sld [smem:$0x3FDB];
	s0 =	simm.s32 @p2 $0x1  }
0x17: {  	s4 =	simm.s32 $0x1BF5;
	[smem:$0x3FBC] =	sst s0  }
0x18: {  	s0 =	sld [smem:$0x3F9F];
	_ =	swait.ge [sflag:s4], $0x0  }
0x19: {  	s7 =	sld [smem:$0x3FA0]  }
0x1a: {  	s8 =	sadd.s32 $0xFFFFE003, lr  }
0x1b: {  	s9 =	sadd.s32 $0xFFFFFEF7, lr;
	s5 =	simm.s32 $0xFFFFFFFF;
	p2 =	slt.u32 s8, $0xFFFFF086  }
0x1c: {  	p1 =	slt.u32 s9, $0xF7A;
	s5 =	simm.s32 @!p2 $0x0  }
0x1d: {  	s5 =	simm.s32 @p1 $0x1;
	p0 =	seq.s32 s7, s2  }
0x1e: {  	s7 =	smul.u32 @!p0 $0xF7A, s2;
	p2 =	seq.s32 @!p0 s5, $0x0  }
0x1f: {  	s9 =	smul.u32 $0xF7A, s1;
	s8 =	simm.s32 @!p0 $0x1BF5;
	p2 =	por !p2, p0  }
0x20: {  	[sflag:s8] =	ssyncset.s32 @!p0 $0xFFFFF086;
	s6 =	sadd.s32 @!p0 s3, s7;
	s7 =	simm.s32 @!p0 $0x108  }
0x21: {  	s3 =	sadd.s32 s3, s9;
	s6 =	sadd.s32 @!p0 $0x88, s6;
	s7 =	simm.s32 @p2 $0x1082  }
0x22: {  	[simem:s7], [sflag:s8] =	dma.local @!p0 [hbm:s6], $0xF7A  }
0x23: {  	s9 =	sor.u32 $0xD0000000, s2;
	s6 =	simm.s32 $0x108;
	_ =	swait.ge @!p0 [sflag:s8], $0x0  }
0x24: {  	s3 =	sadd.s32 $0x88, s3;
	s6 =	simm.s32 @!p1 $0x1082;
	[sflag:s4] =	ssyncset.s32 $0xFFFFF086  }
0x25: {  	[simem:s6], [sflag:s4] =	dma.local [hbm:s3], $0xF7A  }
0x26: {  	[smem:$0x3FA0] =	sst s1;
	(tag) =	ssettag s2;
	_ =	strace s9  }
0x27: {  	s1 =	sld [smem:$0x3FB0]  }
0x28: {  	s2 =	sld [smem:$0x3FB1]  }
0x29: {  	s4 =	sld [smem:$0x3FB3]  }
0x2a: {  	p0 =	seq.s32 s5, $0x0;
	s5 =	sld [smem:$0x3FB4]  }
0x2b: {  	s6 =	sld [smem:$0x3FB5]  }
0x2c: {  	s7 =	sld [smem:$0x3FB6]  }
0x2d: {  	s3 =	simm.s32 $0x108;
	s8 =	sld [smem:$0x3FB7]  }
0x2e: {  	s3 =	simm.s32 @!p0 $0x1082;
	s9 =	sld [smem:$0x3FB8]  }
0x2f: {  	lr =	sadd.s32 s0, s3;
	s0 =	sld [smem:$0x3FAF]  }
0x30: {  	s3 =	sld [smem:$0x3FB2]  }
0x31: {  	[smem:$0x3FBB] =	sst s10  }
0x32: {  	s10 =	sld [smem:$0x3FB9];
	_ =	sdelay $0x3  }
0x33: {  	p0 =	seq.s32 s10, $0x1;
	s10 =	sld [smem:$0x3FBB];
	_ =	sdelay $0x3  }
0x34: {  	[smem:$0x3FBB] =	sst s10  }
0x35: {  	s10 =	sld [smem:$0x3FBA];
	_ =	sdelay $0x3  }
0x36: {  	p1 =	seq.s32 s10, $0x1;
	s10 =	sld [smem:$0x3FBB];
	_ =	sdelay $0x3  }
0x37: {  	[smem:$0x3FBB] =	sst s10  }
0x38: {  	s10 =	sld [smem:$0x3FBC]  }
0x39: {  	_ = 	snop;
	(pc) =	sbr.ind lr, $3  }
0x3a: {  	_ = 	snop  }
0x3b: {  	_ = 	snop  }
0x3c: {  	p2 =	seq.s32 s10, $0x1;
	s10 =	sld [smem:$0x3FBB]  }
0x3d: {  	_ =	shalt  }
0x3e: {  	_ =	shalt  }
0x3f: {  	_ =	shalt  }
0x40: {  	_ =	shalt  }
0x41: {  	_ =	shalt  }
0x42: {  	_ =	shalt  }
0x43: {  	_ =	shalt  }
0x44: {  	_ =	shalt  }
0x45: {  	_ =	shalt  }
0x46: {  	_ =	shalt  }
0x47: {  	_ =	shalt  }
0x48: {  	_ =	shalt  }
0x49: {  	_ =	shalt  }
0x4a: {  	_ =	shalt  }
0x4b: {  	_ =	shalt  }
0x4c: {  	_ =	shalt  }
0x4d: {  	_ =	shalt  }
0x4e: {  	_ =	shalt  }
0x4f: {  	_ =	shalt  }
0x50: {  	_ =	shalt  }
0x51: {  	_ =	shalt  }
0x52: {  	_ =	shalt  }
0x53: {  	_ =	shalt  }
0x54: {  	_ =	shalt  }
0x55: {  	_ =	shalt  }
0x56: {  	_ =	shalt  }
0x57: {  	_ =	shalt  }
0x58: {  	_ =	shalt  }
0x59: {  	_ =	shalt  }
0x5a: {  	_ =	shalt  }
0x5b: {  	_ =	shalt  }
0x5c: {  	_ =	shalt  }
0x5d: {  	_ =	shalt  }
0x5e: {  	_ =	shalt  }
0x5f: {  	_ =	shalt  }
0x60: {  	_ =	shalt  }
0x61: {  	_ =	shalt  }
0x62: {  	_ =	shalt  }
0x63: {  	_ =	shalt  }
0x64: {  	_ =	shalt  }
0x65: {  	_ =	shalt  }
0x66: {  	_ =	shalt  }
0x67: {  	_ =	shalt  }
0x68: {  	_ =	shalt  }
0x69: {  	_ =	shalt  }
0x6a: {  	_ =	shalt  }
0x6b: {  	_ =	shalt  }
0x6c: {  	_ =	shalt  }
0x6d: {  	_ =	shalt  }
0x6e: {  	_ =	shalt  }
0x6f: {  	_ =	shalt  }
0x70: {  	_ =	shalt  }
0x71: {  	_ =	shalt  }
0x72: {  	_ =	shalt  }
0x73: {  	_ =	shalt  }
0x74: {  	_ =	shalt  }
0x75: {  	_ =	shalt  }
0x76: {  	_ =	shalt  }
0x77: {  	_ =	shalt  }
0x78: {  	_ =	shalt  }
0x79: {  	_ =	shalt  }
0x7a: {  	_ =	shalt  }
0x7b: {  	_ =	shalt  }
0x7c: {  	_ =	shalt  }
0x7d: {  	_ =	shalt  }
0x7e: {  	_ =	shalt  }
0x7f: {  	_ =	shalt  }
0x80: {  	_ =	shalt  }
0x81: {  	_ =	shalt  }
0x82: {  	_ =	shalt  }
0x83: {  	_ =	shalt  }
0x84: {  	_ =	shalt  }
0x85: {  	_ =	shalt  }
0x86: {  	_ =	shalt  }
0x87: {  	_ =	shalt  }
.Lfunc_end0:
.L_simem_size_0:
called_computation.1_lowered:
.L_overlay_start_0:
0x88: {  	s2 =	sld [smem:$0x3FD9]  }
0x89: {  	s3 =	sld [smem:$0x3FFE];
	_ =	sdelay $0x1  }
0x8a: {  	s1 =	srdreg.scid  }
0x8b: {  	s0 =	sand.u32 $0x1, s1  }
0x8c: {  	s15 =	sshll.u32 s0, $0xA;
	s2 =	sadd.s32 s3, s2  }
0x8d: {  	s2 =	sadd.s32 s2, s15  }
0x8e: {  	[smem:$0x3FC7] =	sst s2  }
0x8f: {  	_ = 	snop  }
0x90: {  	s2 =	sld [smem:$0x3FD0];
	_ =	sdelay $0x2  }
0x91: {  	s16 =	simm.s32 $0xB;
	s4 =	simm.s32 $0x10  }
0x92: {  	[smem:s4], [sflag:s16] =	dma.local [hbm:s2], $0x1  }
0x93: {  	_ =	swait.eq [sflag:s16], $0x1  }
0x94: {  	s17 =	sld [smem:$0x10];
	[sflag:s16] =	ssyncset.done $0x0  }
0x95: {  	s18 =	sld [smem:$0x13];
	[sflag:s16] =	ssyncadd.s32 $0xFFFFFFFF  }
0x96: {  	s19 =	sld [smem:$0x14];
	(tm) =	ssettm $0x1  }
0x97: {  	s5 =	sld [smem:$0x3FFB];
	_ =	sdelay $0x3  }
0x98: {  	_ =	strace s5  }
0x99: {  	s5 =	sld [smem:$0x3FFC];
	_ =	sdelay $0x3  }
0x9a: {  	_ =	strace s5  }
0x9b: {  	s5 =	sld [smem:$0x3FFD];
	_ =	sdelay $0x3  }
0x9c: {  	_ =	strace s5  }
0x9d: {  	_ =	strace $0x8FFFFFFF  }
0x9e: {  	s20 =	sld [smem:$0x3FDB];
	_ =	sdelay $0x1  }
0x9f: {  	s6 =	simm.s32 $_scs_section_size  }
0xa0: {  	s7 =	simm.s32 $_size__tile_overlayer_lowered;
	s8 =	simm.s32 $_tile_overlayer_lowered  }
0xa1: {  	s23 =	simm.s32 $0x1BFF;
	s22 =	sshll.u32 s8, $0x1;
	s5 =	sadd.s32 s6, s20  }
0xa2: {  	s9 =	simm.s32 $0x0;
	s21 =	sshll.u32 s7, $0x1;
	s7 =	sadd.s32 s22, s5  }
0xa3: {  	[timem:s9], [sflag:s23] =	dma.local [hbm:s7], s21  }
0xa4: {  	_ =	swait.ge [sflag:s23], s21  }
0xa5: {  	s6 =	ssub.s32 $0x0, s21;
	[sflag:s23] =	ssyncset.done $0x0  }
0xa6: {  	[sflag:s23] =	ssyncadd.s32 s6;
	_ =	sdelay $0x1  }
0xa7: {  	s24 =	simm.s32 $0x1B8B  }
0xa8: {  	_ =	swait.ge [sflag:s24], $0x1  }
0xa9: {  	[sflag:s24] =	ssyncset.done $0x0  }
0xaa: {  	s25 =	simm.s32 $0x1B8E;
	[sflag:s24] =	ssyncadd.s32 $0xFFFFFFFF  }
0xab: {  	s26 =	simm.s32 $execute0_lowered;
	[smem:$0x3FD2] =	sst s25  }
0xac: {  	s6 =	sshll.u32 s26, $0x1;
	_ =	strace $0x80000046;
	[dreg:$0x1] =	wrdreg $0xFFFFFFFF  }
0xad: {  	s28 =	simm.s32 $_size_execute0_lowered;
	s5 =	sadd.s32 s5, s6;
	[dreg:$0x0] =	wrdreg $0x0  }
0xae: {  	s6 =	sshll.u32 s28, $0x1;
	[dreg:$0x2] =	wrdreg s5  }
0xaf: {  	[dreg:$0x3] =	wrdreg s6  }
0xb0: {  	[dreg:$0x4] =	wrdreg $0xC0  }
0xb1: {  	_ =	task [dreg:s9], $0x5FFFF  }
0xb2: {  	[dreg:$0x1] =	wrdreg $0xFFFFFFFF  }
0xb3: {  	[dreg:$0x0] =	wrdreg $0x60  }
0xb4: {  	[dreg:$0x2] =	wrdreg s17  }
0xb5: {  	[dreg:$0x3] =	wrdreg s19  }
0xb6: {  	[dreg:$0x4] =	wrdreg s18  }
0xb7: {  	[dreg:$0x5] =	wrdreg $0xA  }
0xb8: {  	_ =	task.clear_ibuf [dreg:s9], $0x6FFFF;
	_ =	strace $0x90000046  }
0xb9: {  	s29 =	simm.s32 $0xA;
	_ =	strace $0x80000048  }
0xba: {  	_ =	swait.ge [sflag:s29], $0x1  }
0xbb: {  	[sflag:s29] =	ssyncadd.s32 $0xFFFFFFFF  }
0xbc: {  	_ =	strace $0x90000048  }
0xbd: {  	_ =	sfence  }
0xbe: {  	s30 =	sld [smem:$0x0];
	_ =	sdelay $0x2  }
0xbf: {  	s31 =	sshll.u32 s1, $0xD;
	s1 =	sshrl.u32 s1, $0x2  }
0xc0: {  	s3 =	sand.u32 $0x4000, s31;
	s1 =	sadd.s32 s1, s30  }
0xc1: {  	s0 =	sor.u32 s3, s0;
	s1 =	sshll.u32 s1, $0x11  }
0xc2: {  	s0 =	sor.u32 s1, s0  }
0xc3: {  	s0 =	sadd.s32 $0x8F2B, s0  }
0xc4: {  	[sflag:s0] =	ssyncadd.remote.s32 $0x1  }
0xc5: {  	_ =	sfence.sel $0xFFFF  }
0xc6: {  	[dreg:$0x0] =	wrdreg $0xFFFFFFFF;
	(pc) =	sbr.abs _section_cstart, $3  }
0xc7: {  	[dreg:$0x1] =	wrdreg $0xFFFFFFFF  }
0xc8: {  	_ =	task.clear_ibuf [dreg:s9], $0x2FFFF;
	_ =	strace $0x9FFFFFFF  }
0xc9: {  	(tm) =	ssettm $0x7FFFFFFF  }
tec
execute0_lowered:
.L_overlay_start_1:
0x0: {  	(tag) =	ssettag $0x1  }
0x1: {  	s4 =	rddreg [dreg:$0x0]  }
0x2: {  	s1 =	srdreg.scid;
	s0 =	stileid.u32  }
0x3: {  	s2 =	rddreg [dreg:$0x1];
	s6 =	sand.u32 $0x1, s1;
	s30 =	sshll.u32 s0, $0x1  }
0x4: {  	s8 =	rddreg [dreg:$0x2];
	s3 =	simm.s32 $0x0;
	s9 =	sor.u32 s6, s30  }
0x5: {  	[smem:$0x7FF] =	sst s3;
	s5 =	smul.u32 $0x30, s9  }
0x6: {  	s1 =	rddreg [dreg:$0x3];
	_ =	strace $0x80000047  }
0x7: {  	s10 =	ssub.s32 $0x2, s6;
	s5 =	sadd.s32 s4, s5;
	s4 =	simm.s32 $0x2  }
0x8: {  	[tilespmem:s3], [sflag:$0x2] =	stream.linear.gather [hbm4b:s5+s3], $0x180, $0x38;
	[tilespmem:$0x1980] =	vst v63  }
0x9: {  	s11 =	sshrl.u32 s10, $0x1;
	_ =	swait.ge [sflag:s4], $0x180  }
0xa: {  	s7 =	simm.s32 $0x1;
	s10 =	ssub.s32 s10, s11;
	[sflag:s4] =	ssyncset.done $0x0  }
0xb: {  	s6 =	simm.s32 $0x180;
	s31 =	smax.u32 s10, $0x1;
	[sflag:s4] =	ssyncadd.s32 $0xFFFFFE80  }
0xc: {  	[tilespmem:s6], [sflag:$0x1] =	stream.indirect.gather [hbm4b:s2+s6], $0x10, s3, s6, $0xb8;
	[tilespmem:$0x1980] =	vst v63  }
0xd: {  	s9 =	smul.u32 $0x300, s9;
	p0 =	sne.s32 s31, $0x1;
	_ =	swait.ge [sflag:s7], $0x1800  }
.Ltmp0:
0xe: {  	[sflag:s7] =	ssyncset.done $0x0;
	(pc) =	sbr.rel @!p0 .LBB2_2-.Ltmp0, $4  }
0xf: {  	s8 =	sadd.s32 s8, s9;
	[sflag:s7] =	ssyncadd.s32 $0xFFFFE800  }
0x10: {  	[hbm4b:s8+s3] =	stream.linear.scatter [tilespmem:s6], [sflag:$0x2], $0x1800, $0x38;
	[tilespmem:$0x1980] =	vst v63  }
0x11: {  	_ =	swait.ge [sflag:s4], $0x1800  }
0x12: {  	s9 =	sadd.s32 $0xFFFFFFFF, s31;
	[sflag:s4] =	ssyncset.done $0x0  }
.LBB2_1:
0x13: {  	p0 =	sne.s32 s9, $0x1;
	s9 =	sadd.s32 $0xFFFFFFFF, s9;
	[sflag:s4] =	ssyncadd.s32 $0xFFFFE800  }
0x14: {  	[tilespmem:s3], [sflag:$0x2] =	stream.linear.gather [hbm4b:s5+s3], $0x180, $0x38;
	[tilespmem:$0x1980] =	vst v63  }
0x15: {  	_ =	swait.ge [sflag:s4], $0x180  }
0x16: {  	[sflag:s4] =	ssyncset.done $0x0  }
0x17: {  	[sflag:s4] =	ssyncadd.s32 $0xFFFFFE80  }
0x18: {  	[tilespmem:s6], [sflag:$0x1] =	stream.indirect.gather [hbm4b:s2+s6], $0x10, s3, s6, $0xb8;
	[tilespmem:$0x1980] =	vst v63  }
0x19: {  	_ =	swait.ge [sflag:s7], $0x1800  }
.Ltmp1:
0x1a: {  	[sflag:s7] =	ssyncset.done $0x0;
	(pc) =	sbr.rel @p0 .LBB2_1-.Ltmp1, $4  }
0x1b: {  	[sflag:s7] =	ssyncadd.s32 $0xFFFFE800  }
0x1c: {  	[hbm4b:s8+s3] =	stream.linear.scatter [tilespmem:s6], [sflag:$0x2], $0x1800, $0x38;
	[tilespmem:$0x1980] =	vst v63  }
0x1d: {  	_ =	swait.ge [sflag:s4], $0x1800  }
0x1e: {  	[sflag:s4] =	ssyncset.done $0x0  }
.LBB2_2:
0x1f: {  	[sflag:s4] =	ssyncadd.s32 $0xFFFFE800  }
0x20: {  	_ =	sfence.sel $0x180000  }
0x21: {  	[bflag:$0x0] =	sbarrier.arrive $0xFFFF  }
0x22: {  	p0 =	sne.s32 s0, $0x0;
	_ =	strace $0x90000047  }
0x23: {  	s0 =	sadd.s32 @!p0 $0x100000, s1;
	[bflag:$0x2] =	sbarrier.arrive $0xFFFF  }
0x24: {  	[sflag:s0] =	ssyncadd.tile.s32 @!p0 $0x1;
	_ =	shalt  }
.Lfunc_end2:
_tile_overlayer_lowered:
.L_overlay_start_2:
0x25: {  	(tag) =	ssettag $0x2  }
0x26: {  	s0 =	rddreg [dreg:$0x0];
	s2 =	stileid.u32  }
0x27: {  	s1 =	rddreg [dreg:$0x1];
	p0 =	sne.s32 s2, $0x0  }
0x28: {  	s3 =	rddreg [dreg:$0x2];
	[bflag:$0x3] =	sbarrier.arrive $0xFFFF;
	s2 =	simm.s32 @!p0 $0x1C02  }
0x29: {  	[timem:s3], [sflag:s2] =	dma.local @!p0 [hbm:s0], s1  }
0x2a: {  	s0 =	simm.s32 @!p0 $0x2  }
0x2b: {  	_ =	swait.ge @!p0 [sflag:s0], s1  }
0x2c: {  	s1 =	ssub.s32 @!p0 $0x0, s1;
	[sflag:s0] =	ssyncset.done @!p0 $0x0  }
0x2d: {  	[sflag:s0] =	ssyncadd.s32 @!p0 s1  }
0x2e: {  	[bflag:$0x3] =	sbarrier.arrive $0xFFFF  }
0x2f: {  	_ =	shalt  }

</sc_bundles>
